<compile_context>
chip_gen: v7x
topology: tpu7x:2x2x1
jax: 0.10.2.dev20260603
libtpu: 0.0.44.dev20260713+nightly
codegen_flags: <defaults>
</compile_context>

<pallas_src>
import functools

import jax
import jax.numpy as jnp
from jax import lax
from jax.experimental import pallas as pl
from jax.experimental.pallas import tpu as pltpu
from jax.experimental.pallas import tpu_sc as plsc

B = 1024
D = 16
K_HIST = 100000
K_NEIGH = 5
KC = 2048
K_PAD = 100352
NK = K_PAD // KC
GPC = KC // 128
NG = K_PAD // 128
NEG = -3.0e38
BIGI = 0x3FFFFFFF
EPS = 1e-8


def _sims_body(x_ref, h_ref, sims_ref, gmax_ref):
    i = pl.program_id(0)
    x = x_ref[...]
    xn = jnp.maximum(jnp.sqrt(jnp.sum(x * x, axis=1, keepdims=True)), EPS)
    h = h_ref[...]
    hn = jnp.maximum(jnp.sqrt(jnp.sum(h * h, axis=1, keepdims=True)), EPS)
    d = jax.lax.dot_general(x, h, (((1,), (1,)), ((), ())),
                            preferred_element_type=jnp.float32)
    sims = d / (xn * hn.T)
    ridx = jax.lax.broadcasted_iota(jnp.int32, (1, KC), 1) + i * KC
    sims = sims + jnp.where(ridx < K_HIST, 0.0, NEG)
    gm = []
    for g in range(GPC):
        blk = sims[:, g * 128:(g + 1) * 128]
        sims_ref[g, :, :] = blk
        gm.append(jnp.max(blk, axis=1, keepdims=True))
    gmax_ref[0, :, :] = jnp.concatenate(gm, axis=1)


def _sims(x_last, hist_pad):
    return pl.pallas_call(
        _sims_body,
        grid=(NK,),
        in_specs=[
            pl.BlockSpec((B, D), lambda i: (0, 0)),
            pl.BlockSpec((KC, D), lambda i: (i, 0)),
        ],
        out_specs=[
            pl.BlockSpec((GPC, B, 128), lambda i: (i, 0, 0)),
            pl.BlockSpec((1, B, GPC), lambda i: (i, 0, 0)),
        ],
        out_shape=[
            jax.ShapeDtypeStruct((NG, B, 128), jnp.float32),
            jax.ShapeDtypeStruct((NK, B, GPC), jnp.float32),
        ],
    )(x_last, hist_pad)


def _topgrp_body(gm_ref, grp_ref):
    v = gm_ref[...]
    gi = jax.lax.broadcasted_iota(jnp.int32, (B, NG), 1)
    sels = []
    for _ in range(K_NEIGH):
        m = jnp.max(v, axis=1, keepdims=True)
        sel = jnp.min(jnp.where(v == m, gi, BIGI), axis=1, keepdims=True)
        v = jnp.where(gi == sel, NEG, v)
        sels.append(sel)
    pad = jnp.full((B, 8 - K_NEIGH), 0, jnp.int32)
    grp_ref[...] = jnp.concatenate(sels + [pad], axis=1)


def _topgrp(gmax):
    return pl.pallas_call(
        _topgrp_body,
        out_shape=jax.ShapeDtypeStruct((B, 8), jnp.int32),
    )(gmax)


def _topel_body(segs_ref, grp_ref, outv_ref, outi_ref):
    il = jax.lax.broadcasted_iota(jnp.int32, (B, 128), 1)
    vs, idxs = [], []
    for j in range(K_NEIGH):
        vs.append(segs_ref[j, :, :])
        idxs.append(grp_ref[:, j:j + 1] * 128 + il)
    aug_v = jnp.concatenate(vs, axis=1)
    aug_i = jnp.concatenate(idxs, axis=1)
    ms, sels = [], []
    for _ in range(K_NEIGH):
        m = jnp.max(aug_v, axis=1, keepdims=True)
        sel = jnp.min(jnp.where(aug_v == m, aug_i, BIGI), axis=1, keepdims=True)
        aug_v = jnp.where(aug_i == sel, NEG, aug_v)
        ms.append(m)
        sels.append(sel)
    outv_ref[...] = jnp.concatenate(
        ms + [jnp.full((B, 8 - K_NEIGH), NEG, jnp.float32)], axis=1)
    outi_ref[...] = jnp.concatenate(
        sels + [jnp.full((B, 8 - K_NEIGH), BIGI, jnp.int32)], axis=1)


def _topel(segs, grp8):
    return pl.pallas_call(
        _topel_body,
        out_shape=[
            jax.ShapeDtypeStruct((B, 8), jnp.float32),
            jax.ShapeDtypeStruct((B, 8), jnp.int32),
        ],
    )(segs, grp8)


def _sc_gather(table, idx_flat, width):
    info = plsc.get_sparse_core_info()
    nc, ns = info.num_cores, info.num_subcores
    nw = nc * ns
    nrows = idx_flat.shape[0]
    bpw = nrows // nw
    mesh = plsc.VectorSubcoreMesh(core_axis_name="c", subcore_axis_name="s")

    @functools.partial(
        pl.kernel,
        mesh=mesh,
        out_type=jax.ShapeDtypeStruct((nrows, width), jnp.float32),
        scratch_types=[
            pltpu.VMEM((bpw,), jnp.int32),
            pltpu.VMEM((bpw, width), jnp.float32),
            pltpu.SemaphoreType.DMA,
        ],
        compiler_params=pltpu.CompilerParams(use_tc_tiling_on_sc=False),
    )
    def k(table_hbm, idx_hbm, out_hbm, idx_v, rows_v, sem):
        wid = lax.axis_index("s") * nc + lax.axis_index("c")
        base = wid * bpw
        pltpu.sync_copy(idx_hbm.at[pl.ds(base, bpw)], idx_v)
        pltpu.async_copy(table_hbm.at[idx_v], rows_v, sem).wait()
        pltpu.sync_copy(rows_v, out_hbm.at[pl.ds(base, bpw)])

    return k(table, idx_flat)


def _fuse_body(v_ref, rows_ref, x_ref, w1a_ref, w1s_ref, b1_ref, w2_ref,
               b2_ref, g_ref, bt_ref, o_ref):
    v = v_ref[:, :K_NEIGH]
    m = jnp.max(v, axis=1, keepdims=True)
    e = jnp.exp(v - m)
    w = e / jnp.sum(e, axis=1, keepdims=True)
    rows = rows_ref[...]
    ws = jnp.zeros((B, D), jnp.float32)
    for j in range(K_NEIGH):
        ws = ws + rows[:, j * D:(j + 1) * D] * w[:, j:j + 1]
    x = x_ref[...]
    h = jax.lax.dot_general(x, w1a_ref[...], (((1,), (0,)), ((), ())),
                            preferred_element_type=jnp.float32)
    h = h + jax.lax.dot_general(ws, w1s_ref[...], (((1,), (0,)), ((), ())),
                                preferred_element_type=jnp.float32)
    h = jnp.maximum(h + b1_ref[...], 0.0)
    h = jax.lax.dot_general(h, w2_ref[...], (((1,), (0,)), ((), ())),
                            preferred_element_type=jnp.float32) + b2_ref[...]
    mu = jnp.mean(h, axis=-1, keepdims=True)
    var = jnp.mean((h - mu) ** 2, axis=-1, keepdims=True)
    o_ref[...] = (h - mu) / jnp.sqrt(var + 1e-5) * g_ref[...] + bt_ref[...]


def _fuse(top5v, rows_flat, x_last, w1a, w1s, b1, w2, b2, gamma, beta):
    return pl.pallas_call(
        _fuse_body,
        out_shape=jax.ShapeDtypeStruct((B, D), jnp.float32),
    )(top5v, rows_flat, x_last, w1a, w1s, b1[None, :], w2, b2[None, :],
      gamma[None, :], beta[None, :])


def kernel(x, historical_data, W1, b1, W2, b2, gamma, beta):
    x_last = x[:, -1, :]
    hist_pad = jnp.pad(historical_data, ((0, K_PAD - K_HIST), (0, 0)))
    sims_t, gmax3 = _sims(x_last, hist_pad)
    gmax = gmax3.transpose(1, 0, 2).reshape(B, NG)
    grp8 = _topgrp(gmax)
    seg_fl = (grp8[:, :K_NEIGH] * B
              + jnp.arange(B, dtype=jnp.int32)[:, None]).T.reshape(B * K_NEIGH)
    segs = _sc_gather(sims_t.reshape(NG * B, 128), seg_fl, 128)
    segs = segs.reshape(K_NEIGH, B, 128)
    top5v, top5i = _topel(segs, grp8)
    idx_flat = top5i[:, :K_NEIGH].reshape(B * K_NEIGH)
    rows = _sc_gather(historical_data, idx_flat, D)
    rows_flat = rows.reshape(B, K_NEIGH * D)
    w1a = W1[:D, :]
    w1s = jnp.sum(W1[D:, :].reshape(K_NEIGH, D, 2 * D), axis=0)
    return _fuse(top5v, rows_flat, x_last, w1a, w1s, b1, W2, b2, gamma, beta)

# --- scband reference (transcript-rebuilt; emitter-appended) ---
"""Pipeline reference for scband-retrieval-augmented-layer-17403207483534 (READ-ONLY COPY).

The authoritative reference and input builder live on the scoring server;
editing this copy changes nothing except your own understanding.
"""

import jax, jax.numpy as jnp
import numpy as np

B, L, D, K_HIST, K_NEIGH = 1024, 20, 16, 100000, 5


def setup_inputs(seed: int = 0) -> dict:
    key = jax.random.key(seed)
    ks = jax.random.split(key, 8)
    x = jax.random.normal(ks[0], (B, L, D), dtype=jnp.float32)
    historical_data = jax.random.normal(ks[1], (K_HIST, D), dtype=jnp.float32)
    fan_in1 = D * (K_NEIGH + 1)
    lim1 = 1.0 / np.sqrt(fan_in1)
    W1 = jax.random.uniform(ks[2], (fan_in1, 2 * D), minval=-lim1, maxval=lim1, dtype=jnp.float32)
    b1 = jax.random.uniform(ks[3], (2 * D,), minval=-lim1, maxval=lim1, dtype=jnp.float32)
    lim2 = 1.0 / np.sqrt(2 * D)
    W2 = jax.random.uniform(ks[4], (2 * D, D), minval=-lim2, maxval=lim2, dtype=jnp.float32)
    b2 = jax.random.uniform(ks[5], (D,), minval=-lim2, maxval=lim2, dtype=jnp.float32)
    gamma = jnp.ones((D,), dtype=jnp.float32)
    beta = jnp.zeros((D,), dtype=jnp.float32)
    return {"x": x, "historical_data": historical_data, "W1": W1, "b1": b1, "W2": W2, "b2": b2, "gamma": gamma, "beta": beta}


def reference(x, historical_data, W1, b1, W2, b2, gamma, beta):
    eps = 1e-8
    # retrieve_similar
    x_last = x[:, -1, :]                                   # [B, D]
    xn = jnp.maximum(jnp.linalg.norm(x_last, axis=-1, keepdims=True), eps)      # [B, 1]
    hn = jnp.maximum(jnp.linalg.norm(historical_data, axis=-1, keepdims=True), eps)  # [K, 1]
    similarities = (x_last @ historical_data.T) / (xn * hn.T)  # [B, K] cosine similarity
    top_k_values, top_k_indices = jax.lax.top_k(similarities, K_NEIGH)  # [B, k]
    weights = jax.nn.softmax(top_k_values, axis=-1)            # [B, k]
    similar_sequences = jnp.take(historical_data, top_k_indices, axis=0)  # [B, k, D] gather
    weighted_sequences = jnp.sum(similar_sequences * weights[..., None], axis=1)  # [B, D]
    x_augmented = jnp.concatenate([x_last] + [weighted_sequences] * K_NEIGH, axis=-1)  # [B, D*(k+1)]
    # fusion_layer: Linear -> ReLU -> Dropout(eval: identity) -> Linear -> LayerNorm
    h = jnp.maximum(x_augmented @ W1 + b1, 0.0)
    h = h @ W2 + b2
    mu = jnp.mean(h, axis=-1, keepdims=True)
    var = jnp.var(h, axis=-1, keepdims=True)
    out = (h - mu) / jnp.sqrt(var + 1e-5) * gamma + beta
    return out

if __name__ == "__main__":
    import jax
    _d = setup_inputs()
    print(jax.jit(kernel)(*tuple(_d.values())))

</pallas_src>

<mosaic_0001>
#map = affine_map<(d0, d1) -> (0, 0)>
#map1 = affine_map<(d0, d1) -> (0)>
module attributes {stable_mosaic.version = 14 : i64} {
  func.func @k(%arg0: i32, %arg1: i32, %arg2: memref<100000x16xf32, #tpu.memory_space<hbm>>, %arg3: memref<5120xi32, #tpu.memory_space<hbm>>, %arg4: memref<5120x16xf32, #tpu.memory_space<hbm>>, %arg5: memref<160xi32, #tpu.memory_space<vmem>>, %arg6: memref<160x16xf32, #tpu.memory_space<vmem>>, %arg7: memref<!tpu.dma_semaphore, #tpu.memory_space<semaphore_mem>>) attributes {dimension_semantics = [#tpu.dimension_semantics<core_parallel>, #tpu.dimension_semantics<subcore_parallel>], iteration_bounds = array<i64: 2, 16>, scalar_prefetch = 0 : i64, scratch_operands = 3 : i64, tpu.core_type = #tpu.core_type<sc_vector_subcore>, window_params = [{transform_indices = #map}, {transform_indices = #map1}, {transform_indices = #map}]} {
    %mul3A = arith.constant 2 : i32
    %mul3A_0 = arith.muli %arg1, %mul3A : i32
    %add3A = arith.addi %mul3A_0, %arg0 : i32
    %mul3A_1 = arith.constant 160 : i32
    %mul3A_2 = arith.muli %add3A, %mul3A_1 : i32
    "tpu.region"() ({
      %run_scoped3A = tpu.sem_alloc : memref<!tpu.dma_semaphore, #tpu.memory_space<semaphore_mem>>
      %dma_start3A_7 = tpu.memref_slice %arg3[%mul3A_2] : memref<5120xi32, #tpu.memory_space<hbm>> -> memref<160xi32, #tpu.memory_space<hbm>>
      %dma_start3A_8 = tpu.memref_slice %arg3[%mul3A_2] : memref<5120xi32, #tpu.memory_space<hbm>> -> memref<160xi32, #tpu.memory_space<hbm>>
      tpu.enqueue_dma source(%dma_start3A_8 : memref<160xi32, #tpu.memory_space<hbm>>) target(%arg5 : memref<160xi32, #tpu.memory_space<vmem>>) target_semaphore(%run_scoped3A : memref<!tpu.dma_semaphore, #tpu.memory_space<semaphore_mem>>)
      %dma_wait3A_9 = tpu.memref_slice %arg3[%mul3A_2] : memref<5120xi32, #tpu.memory_space<hbm>> -> memref<160xi32, #tpu.memory_space<hbm>>
      %dma_wait3A_10 = tpu.memref_slice %arg3[%mul3A_2] : memref<5120xi32, #tpu.memory_space<hbm>> -> memref<160xi32, #tpu.memory_space<hbm>>
      tpu.wait_dma2 semaphore(%run_scoped3A : memref<!tpu.dma_semaphore, #tpu.memory_space<semaphore_mem>>) src(%dma_wait3A_10 : memref<160xi32, #tpu.memory_space<hbm>>) dst(%arg5 : memref<160xi32, #tpu.memory_space<vmem>>)
      tpu.yield
    }) : () -> ()
    %dma_start3A = arith.constant 0 : i32
    %dma_start3A_3 = arith.constant 0 : i32
    %dma_start3A_4 = tpu.memref_slice %arg2[%dma_start3A, %dma_start3A_3] : memref<100000x16xf32, #tpu.memory_space<hbm>> -> memref<100000x16xf32, #tpu.memory_space<hbm>>
    tpu.enqueue_indirect_dma source(%dma_start3A_4 : memref<100000x16xf32, #tpu.memory_space<hbm>>) target(%arg6 : memref<160x16xf32, #tpu.memory_space<vmem>>) offsets(%arg5 : memref<160xi32, #tpu.memory_space<vmem>>) semaphore(%arg7 : memref<!tpu.dma_semaphore, #tpu.memory_space<semaphore_mem>>)
    %dma_wait3A = arith.constant 0 : i32
    %dma_wait3A_5 = arith.constant 0 : i32
    %dma_wait3A_6 = tpu.memref_slice %arg2[%dma_wait3A, %dma_wait3A_5] : memref<100000x16xf32, #tpu.memory_space<hbm>> -> memref<100000x16xf32, #tpu.memory_space<hbm>>
    tpu.wait_indirect_dma semaphore(%arg7 : memref<!tpu.dma_semaphore, #tpu.memory_space<semaphore_mem>>) src(%dma_wait3A_6 : memref<100000x16xf32, #tpu.memory_space<hbm>>) dst(%arg6 : memref<160x16xf32, #tpu.memory_space<vmem>>)
    "tpu.region"() ({
      %run_scoped3A = tpu.sem_alloc : memref<!tpu.dma_semaphore, #tpu.memory_space<semaphore_mem>>
      %dma_start3A_7 = arith.constant 0 : i32
      %dma_start3A_8 = tpu.memref_slice %arg4[%mul3A_2, %dma_start3A_7] : memref<5120x16xf32, #tpu.memory_space<hbm>> -> memref<160x16xf32, #tpu.memory_space<hbm>>
      %dma_start3A_9 = arith.constant 0 : i32
      %dma_start3A_10 = tpu.memref_slice %arg4[%mul3A_2, %dma_start3A_9] : memref<5120x16xf32, #tpu.memory_space<hbm>> -> memref<160x16xf32, #tpu.memory_space<hbm>>
      tpu.enqueue_dma source(%arg6 : memref<160x16xf32, #tpu.memory_space<vmem>>) target(%dma_start3A_10 : memref<160x16xf32, #tpu.memory_space<hbm>>) target_semaphore(%run_scoped3A : memref<!tpu.dma_semaphore, #tpu.memory_space<semaphore_mem>>)
      %dma_wait3A_11 = arith.constant 0 : i32
      %dma_wait3A_12 = tpu.memref_slice %arg4[%mul3A_2, %dma_wait3A_11] : memref<5120x16xf32, #tpu.memory_space<hbm>> -> memref<160x16xf32, #tpu.memory_space<hbm>>
      %dma_wait3A_13 = arith.constant 0 : i32
      %dma_wait3A_14 = tpu.memref_slice %arg4[%mul3A_2, %dma_wait3A_13] : memref<5120x16xf32, #tpu.memory_space<hbm>> -> memref<160x16xf32, #tpu.memory_space<hbm>>
      tpu.wait_dma2 semaphore(%run_scoped3A : memref<!tpu.dma_semaphore, #tpu.memory_space<semaphore_mem>>) src(%arg6 : memref<160x16xf32, #tpu.memory_space<vmem>>) dst(%dma_wait3A_14 : memref<160x16xf32, #tpu.memory_space<hbm>>)
      tpu.yield
    }) : () -> ()
    return
  }
}

#map = affine_map<(d0, d1) -> (0, 0)>
#map1 = affine_map<(d0, d1) -> (0)>
module attributes {stable_mosaic.version = 14 : i64} {
  func.func @k(%arg0: i32, %arg1: i32, %arg2: memref<802816x128xf32, #tpu.memory_space<hbm>>, %arg3: memref<5120xi32, #tpu.memory_space<hbm>>, %arg4: memref<5120x128xf32, #tpu.memory_space<hbm>>, %arg5: memref<160xi32, #tpu.memory_space<vmem>>, %arg6: memref<160x128xf32, #tpu.memory_space<vmem>>, %arg7: memref<!tpu.dma_semaphore, #tpu.memory_space<semaphore_mem>>) attributes {dimension_semantics = [#tpu.dimension_semantics<core_parallel>, #tpu.dimension_semantics<subcore_parallel>], iteration_bounds = array<i64: 2, 16>, scalar_prefetch = 0 : i64, scratch_operands = 3 : i64, tpu.core_type = #tpu.core_type<sc_vector_subcore>, window_params = [{transform_indices = #map}, {transform_indices = #map1}, {transform_indices = #map}]} {
    %mul3A = arith.constant 2 : i32
    %mul3A_0 = arith.muli %arg1, %mul3A : i32
    %add3A = arith.addi %mul3A_0, %arg0 : i32
    %mul3A_1 = arith.constant 160 : i32
    %mul3A_2 = arith.muli %add3A, %mul3A_1 : i32
    "tpu.region"() ({
      %run_scoped3A = tpu.sem_alloc : memref<!tpu.dma_semaphore, #tpu.memory_space<semaphore_mem>>
      %dma_start3A_7 = tpu.memref_slice %arg3[%mul3A_2] : memref<5120xi32, #tpu.memory_space<hbm>> -> memref<160xi32, #tpu.memory_space<hbm>>
      %dma_start3A_8 = tpu.memref_slice %arg3[%mul3A_2] : memref<5120xi32, #tpu.memory_space<hbm>> -> memref<160xi32, #tpu.memory_space<hbm>>
      tpu.enqueue_dma source(%dma_start3A_8 : memref<160xi32, #tpu.memory_space<hbm>>) target(%arg5 : memref<160xi32, #tpu.memory_space<vmem>>) target_semaphore(%run_scoped3A : memref<!tpu.dma_semaphore, #tpu.memory_space<semaphore_mem>>)
      %dma_wait3A_9 = tpu.memref_slice %arg3[%mul3A_2] : memref<5120xi32, #tpu.memory_space<hbm>> -> memref<160xi32, #tpu.memory_space<hbm>>
      %dma_wait3A_10 = tpu.memref_slice %arg3[%mul3A_2] : memref<5120xi32, #tpu.memory_space<hbm>> -> memref<160xi32, #tpu.memory_space<hbm>>
      tpu.wait_dma2 semaphore(%run_scoped3A : memref<!tpu.dma_semaphore, #tpu.memory_space<semaphore_mem>>) src(%dma_wait3A_10 : memref<160xi32, #tpu.memory_space<hbm>>) dst(%arg5 : memref<160xi32, #tpu.memory_space<vmem>>)
      tpu.yield
    }) : () -> ()
    %dma_start3A = arith.constant 0 : i32
    %dma_start3A_3 = arith.constant 0 : i32
    %dma_start3A_4 = tpu.memref_slice %arg2[%dma_start3A, %dma_start3A_3] : memref<802816x128xf32, #tpu.memory_space<hbm>> -> memref<802816x128xf32, #tpu.memory_space<hbm>>
    tpu.enqueue_indirect_dma source(%dma_start3A_4 : memref<802816x128xf32, #tpu.memory_space<hbm>>) target(%arg6 : memref<160x128xf32, #tpu.memory_space<vmem>>) offsets(%arg5 : memref<160xi32, #tpu.memory_space<vmem>>) semaphore(%arg7 : memref<!tpu.dma_semaphore, #tpu.memory_space<semaphore_mem>>)
    %dma_wait3A = arith.constant 0 : i32
    %dma_wait3A_5 = arith.constant 0 : i32
    %dma_wait3A_6 = tpu.memref_slice %arg2[%dma_wait3A, %dma_wait3A_5] : memref<802816x128xf32, #tpu.memory_space<hbm>> -> memref<802816x128xf32, #tpu.memory_space<hbm>>
    tpu.wait_indirect_dma semaphore(%arg7 : memref<!tpu.dma_semaphore, #tpu.memory_space<semaphore_mem>>) src(%dma_wait3A_6 : memref<802816x128xf32, #tpu.memory_space<hbm>>) dst(%arg6 : memref<160x128xf32, #tpu.memory_space<vmem>>)
    "tpu.region"() ({
      %run_scoped3A = tpu.sem_alloc : memref<!tpu.dma_semaphore, #tpu.memory_space<semaphore_mem>>
      %dma_start3A_7 = arith.constant 0 : i32
      %dma_start3A_8 = tpu.memref_slice %arg4[%mul3A_2, %dma_start3A_7] : memref<5120x128xf32, #tpu.memory_space<hbm>> -> memref<160x128xf32, #tpu.memory_space<hbm>>
      %dma_start3A_9 = arith.constant 0 : i32
      %dma_start3A_10 = tpu.memref_slice %arg4[%mul3A_2, %dma_start3A_9] : memref<5120x128xf32, #tpu.memory_space<hbm>> -> memref<160x128xf32, #tpu.memory_space<hbm>>
      tpu.enqueue_dma source(%arg6 : memref<160x128xf32, #tpu.memory_space<vmem>>) target(%dma_start3A_10 : memref<160x128xf32, #tpu.memory_space<hbm>>) target_semaphore(%run_scoped3A : memref<!tpu.dma_semaphore, #tpu.memory_space<semaphore_mem>>)
      %dma_wait3A_11 = arith.constant 0 : i32
      %dma_wait3A_12 = tpu.memref_slice %arg4[%mul3A_2, %dma_wait3A_11] : memref<5120x128xf32, #tpu.memory_space<hbm>> -> memref<160x128xf32, #tpu.memory_space<hbm>>
      %dma_wait3A_13 = arith.constant 0 : i32
      %dma_wait3A_14 = tpu.memref_slice %arg4[%mul3A_2, %dma_wait3A_13] : memref<5120x128xf32, #tpu.memory_space<hbm>> -> memref<160x128xf32, #tpu.memory_space<hbm>>
      tpu.wait_dma2 semaphore(%run_scoped3A : memref<!tpu.dma_semaphore, #tpu.memory_space<semaphore_mem>>) src(%arg6 : memref<160x128xf32, #tpu.memory_space<vmem>>) dst(%dma_wait3A_14 : memref<160x128xf32, #tpu.memory_space<hbm>>)
      tpu.yield
    }) : () -> ()
    return
  }
}

module attributes {stable_mosaic.version = 14 : i64} {
  func.func @_sims_body(%arg0: i32, %arg1: memref<1024x16xf32, #tpu.memory_space<vmem>>, %arg2: memref<2048x16xf32, #tpu.memory_space<vmem>>, %arg3: memref<16x1024x128xf32, #tpu.memory_space<vmem>>, %arg4: memref<1x1024x16xf32, #tpu.memory_space<vmem>>) attributes {dimension_semantics = [#tpu.dimension_semantics<arbitrary>], iteration_bounds = array<i64: 49>, scalar_prefetch = 0 : i64, scratch_operands = 0 : i64, tpu.core_type = #tpu.core_type<tc>, window_params = [{pipeline_mode = #tpu.pipeline_mode<synchronous>, transform_indices = @transform_0, window_bounds = array<i64: 1024, 16>}, {transform_indices = @transform_1, window_bounds = array<i64: 2048, 16>}, {transform_indices = @transform_2, window_bounds = array<i64: 16, 1024, 128>}, {transform_indices = @transform_3, window_bounds = array<i64: 1, 1024, 16>}]} {
    %get3A = arith.constant 0 : index
    %get3A_0 = arith.constant 0 : index
    %get3A_1 = vector.load %arg1[%get3A, %get3A_0] : memref<1024x16xf32, #tpu.memory_space<vmem>>, vector<1024x16xf32>
    %mul3A = arith.mulf %get3A_1, %get3A_1 : vector<1024x16xf32>
    %reduce_sum3A = arith.constant dense<0.000000e+00> : vector<1024xf32>
    %reduce_sum3A_2 = vector.multi_reduction <add>, %mul3A, %reduce_sum3A [1] : vector<1024x16xf32> to vector<1024xf32>
    %broadcast_in_dim3A = vector.shape_cast %reduce_sum3A_2 : vector<1024xf32> to vector<1024x1xf32>
    %sqrt3A = math.sqrt %broadcast_in_dim3A : vector<1024x1xf32>
    %max3A = arith.constant 9.99999993E-9 : f32
    %max3A_3 = vector.broadcast %max3A : f32 to vector<1024x1xf32>
    %max3A_4 = arith.maximumf %sqrt3A, %max3A_3 : vector<1024x1xf32>
    %get3A_5 = arith.constant 0 : index
    %get3A_6 = arith.constant 0 : index
    %get3A_7 = vector.load %arg2[%get3A_5, %get3A_6] : memref<2048x16xf32, #tpu.memory_space<vmem>>, vector<2048x16xf32>
    %mul3A_8 = arith.mulf %get3A_7, %get3A_7 : vector<2048x16xf32>
    %reduce_sum3A_9 = arith.constant dense<0.000000e+00> : vector<2048xf32>
    %reduce_sum3A_10 = vector.multi_reduction <add>, %mul3A_8, %reduce_sum3A_9 [1] : vector<2048x16xf32> to vector<2048xf32>
    %broadcast_in_dim3A_11 = vector.shape_cast %reduce_sum3A_10 : vector<2048xf32> to vector<2048x1xf32>
    %sqrt3A_12 = math.sqrt %broadcast_in_dim3A_11 : vector<2048x1xf32>
    %max3A_13 = arith.constant 9.99999993E-9 : f32
    %max3A_14 = vector.broadcast %max3A_13 : f32 to vector<2048x1xf32>
    %max3A_15 = arith.maximumf %sqrt3A_12, %max3A_14 : vector<2048x1xf32>
    %dot_general3A = arith.constant dense<0.000000e+00> : vector<1024x2048xf32>
    %dot_general3A_16 = tpu.matmul %get3A_1, %get3A_7, %dot_general3A {dimension_numbers = #tpu.dot_dimension_numbers<[1], [1], [0], [0], [0, 0, 1, 0], [], []>, transpose_lhs_hint = false} : vector<1024x16xf32>, vector<2048x16xf32>, vector<1024x2048xf32> -> vector<1024x2048xf32>
    %transpose3A = tpu.transpose %max3A_15, [1, 0] : vector<2048x1xf32> -> vector<1x2048xf32>
    %mul3A_17 = vector.broadcast %max3A_4 : vector<1024x1xf32> to vector<1024x2048xf32>
    %mul3A_18 = vector.broadcast %transpose3A : vector<1x2048xf32> to vector<1024x2048xf32>
    %mul3A_19 = arith.mulf %mul3A_17, %mul3A_18 : vector<1024x2048xf32>
    %div3A = arith.divf %dot_general3A_16, %mul3A_19 : vector<1024x2048xf32>
    %iota3A = tpu.iota {dimensions = array<i32: 1>} : vector<1x2048xi32>
    %mul3A_20 = arith.constant 2048 : i32
    %mul3A_21 = arith.muli %arg0, %mul3A_20 : i32
    %add3A = vector.broadcast %mul3A_21 : i32 to vector<1x2048xi32>
    %add3A_22 = arith.addi %iota3A, %add3A : vector<1x2048xi32>
    %lt3A = arith.constant 100000 : i32
    %lt3A_23 = vector.broadcast %lt3A : i32 to vector<1x2048xi32>
    %lt3A_24 = arith.cmpi slt, %add3A_22, %lt3A_23 : vector<1x2048xi32>
    %jit3A = arith.constant 0.000000e+00 : f32
    %jit3A_25 = arith.constant -3.000000e+38 : f32
    %broadcast_in_dim3A_26 = vector.broadcast %jit3A : f32 to vector<1x2048xf32>
    %broadcast_in_dim3A_27 = vector.broadcast %jit3A_25 : f32 to vector<1x2048xf32>
    %select_n3A = arith.select %lt3A_24, %broadcast_in_dim3A_26, %broadcast_in_dim3A_27 : vector<1x2048xi1>, vector<1x2048xf32>
    %add3A_28 = vector.broadcast %select_n3A : vector<1x2048xf32> to vector<1024x2048xf32>
    %add3A_29 = arith.addf %div3A, %add3A_28 : vector<1024x2048xf32>
    %slice3A = vector.extract_strided_slice %add3A_29 {offsets = [0, 0], sizes = [1024, 128], strides = [1, 1]} : vector<1024x2048xf32> to vector<1024x128xf32>
    %swap3A = arith.constant 0 : index
    %swap3A_30 = arith.constant 0 : index
    %swap3A_31 = arith.constant 0 : index
    %swap3A_32 = vector.load %arg3[%swap3A, %swap3A_30, %swap3A_31] : memref<16x1024x128xf32, #tpu.memory_space<vmem>>, vector<1x1024x128xf32>
    %swap3A_33 = vector.shape_cast %swap3A_32 : vector<1x1024x128xf32> to vector<1024x128xf32>
    %swap3A_34 = vector.shape_cast %slice3A : vector<1024x128xf32> to vector<1x1024x128xf32>
    tpu.vector_store %arg3[%swap3A, %swap3A_30, %swap3A_31], %swap3A_34 {strides = array<i32>} : memref<16x1024x128xf32, #tpu.memory_space<vmem>>, vector<1x1024x128xf32>,
    %reduce_max3A = arith.constant dense<0xFF800000> : vector<1024xf32>
    %reduce_max3A_35 = vector.multi_reduction <maximumf>, %slice3A, %reduce_max3A [1] : vector<1024x128xf32> to vector<1024xf32>
    %broadcast_in_dim3A_36 = vector.shape_cast %reduce_max3A_35 : vector<1024xf32> to vector<1024x1xf32>
    %slice3A_37 = vector.extract_strided_slice %add3A_29 {offsets = [0, 128], sizes = [1024, 128], strides = [1, 1]} : vector<1024x2048xf32> to vector<1024x128xf32>
    %swap3A_38 = arith.constant 1 : index
    %swap3A_39 = arith.constant 0 : index
    %swap3A_40 = arith.constant 0 : index
    %swap3A_41 = vector.load %arg3[%swap3A_38, %swap3A_39, %swap3A_40] : memref<16x1024x128xf32, #tpu.memory_space<vmem>>, vector<1x1024x128xf32>
    %swap3A_42 = vector.shape_cast %swap3A_41 : vector<1x1024x128xf32> to vector<1024x128xf32>
    %swap3A_43 = vector.shape_cast %slice3A_37 : vector<1024x128xf32> to vector<1x1024x128xf32>
    tpu.vector_store %arg3[%swap3A_38, %swap3A_39, %swap3A_40], %swap3A_43 {strides = array<i32>} : memref<16x1024x128xf32, #tpu.memory_space<vmem>>, vector<1x1024x128xf32>,
    %reduce_max3A_44 = arith.constant dense<0xFF800000> : vector<1024xf32>
    %reduce_max3A_45 = vector.multi_reduction <maximumf>, %slice3A_37, %reduce_max3A_44 [1] : vector<1024x128xf32> to vector<1024xf32>
    %broadcast_in_dim3A_46 = vector.shape_cast %reduce_max3A_45 : vector<1024xf32> to vector<1024x1xf32>
    %slice3A_47 = vector.extract_strided_slice %add3A_29 {offsets = [0, 256], sizes = [1024, 128], strides = [1, 1]} : vector<1024x2048xf32> to vector<1024x128xf32>
    %swap3A_48 = arith.constant 2 : index
    %swap3A_49 = arith.constant 0 : index
    %swap3A_50 = arith.constant 0 : index
    %swap3A_51 = vector.load %arg3[%swap3A_48, %swap3A_49, %swap3A_50] : memref<16x1024x128xf32, #tpu.memory_space<vmem>>, vector<1x1024x128xf32>
    %swap3A_52 = vector.shape_cast %swap3A_51 : vector<1x1024x128xf32> to vector<1024x128xf32>
    %swap3A_53 = vector.shape_cast %slice3A_47 : vector<1024x128xf32> to vector<1x1024x128xf32>
    tpu.vector_store %arg3[%swap3A_48, %swap3A_49, %swap3A_50], %swap3A_53 {strides = array<i32>} : memref<16x1024x128xf32, #tpu.memory_space<vmem>>, vector<1x1024x128xf32>,
    %reduce_max3A_54 = arith.constant dense<0xFF800000> : vector<1024xf32>
    %reduce_max3A_55 = vector.multi_reduction <maximumf>, %slice3A_47, %reduce_max3A_54 [1] : vector<1024x128xf32> to vector<1024xf32>
    %broadcast_in_dim3A_56 = vector.shape_cast %reduce_max3A_55 : vector<1024xf32> to vector<1024x1xf32>
    %slice3A_57 = vector.extract_strided_slice %add3A_29 {offsets = [0, 384], sizes = [1024, 128], strides = [1, 1]} : vector<1024x2048xf32> to vector<1024x128xf32>
    %swap3A_58 = arith.constant 3 : index
    %swap3A_59 = arith.constant 0 : index
    %swap3A_60 = arith.constant 0 : index
    %swap3A_61 = vector.load %arg3[%swap3A_58, %swap3A_59, %swap3A_60] : memref<16x1024x128xf32, #tpu.memory_space<vmem>>, vector<1x1024x128xf32>
    %swap3A_62 = vector.shape_cast %swap3A_61 : vector<1x1024x128xf32> to vector<1024x128xf32>
    %swap3A_63 = vector.shape_cast %slice3A_57 : vector<1024x128xf32> to vector<1x1024x128xf32>
    tpu.vector_store %arg3[%swap3A_58, %swap3A_59, %swap3A_60], %swap3A_63 {strides = array<i32>} : memref<16x1024x128xf32, #tpu.memory_space<vmem>>, vector<1x1024x128xf32>,
    %reduce_max3A_64 = arith.constant dense<0xFF800000> : vector<1024xf32>
    %reduce_max3A_65 = vector.multi_reduction <maximumf>, %slice3A_57, %reduce_max3A_64 [1] : vector<1024x128xf32> to vector<1024xf32>
    %broadcast_in_dim3A_66 = vector.shape_cast %reduce_max3A_65 : vector<1024xf32> to vector<1024x1xf32>
    %slice3A_67 = vector.extract_strided_slice %add3A_29 {offsets = [0, 512], sizes = [1024, 128], strides = [1, 1]} : vector<1024x2048xf32> to vector<1024x128xf32>
    %swap3A_68 = arith.constant 4 : index
    %swap3A_69 = arith.constant 0 : index
    %swap3A_70 = arith.constant 0 : index
    %swap3A_71 = vector.load %arg3[%swap3A_68, %swap3A_69, %swap3A_70] : memref<16x1024x128xf32, #tpu.memory_space<vmem>>, vector<1x1024x128xf32>
    %swap3A_72 = vector.shape_cast %swap3A_71 : vector<1x1024x128xf32> to vector<1024x128xf32>
    %swap3A_73 = vector.shape_cast %slice3A_67 : vector<1024x128xf32> to vector<1x1024x128xf32>
    tpu.vector_store %arg3[%swap3A_68, %swap3A_69, %swap3A_70], %swap3A_73 {strides = array<i32>} : memref<16x1024x128xf32, #tpu.memory_space<vmem>>, vector<1x1024x128xf32>,
    %reduce_max3A_74 = arith.constant dense<0xFF800000> : vector<1024xf32>
    %reduce_max3A_75 = vector.multi_reduction <maximumf>, %slice3A_67, %reduce_max3A_74 [1] : vector<1024x128xf32> to vector<1024xf32>
    %broadcast_in_dim3A_76 = vector.shape_cast %reduce_max3A_75 : vector<1024xf32> to vector<1024x1xf32>
    %slice3A_77 = vector.extract_strided_slice %add3A_29 {offsets = [0, 640], sizes = [1024, 128], strides = [1, 1]} : vector<1024x2048xf32> to vector<1024x128xf32>
    %swap3A_78 = arith.constant 5 : index
    %swap3A_79 = arith.constant 0 : index
    %swap3A_80 = arith.constant 0 : index
    %swap3A_81 = vector.load %arg3[%swap3A_78, %swap3A_79, %swap3A_80] : memref<16x1024x128xf32, #tpu.memory_space<vmem>>, vector<1x1024x128xf32>
    %swap3A_82 = vector.shape_cast %swap3A_81 : vector<1x1024x128xf32> to vector<1024x128xf32>
    %swap3A_83 = vector.shape_cast %slice3A_77 : vector<1024x128xf32> to vector<1x1024x128xf32>
    tpu.vector_store %arg3[%swap3A_78, %swap3A_79, %swap3A_80], %swap3A_83 {strides = array<i32>} : memref<16x1024x128xf32, #tpu.memory_space<vmem>>, vector<1x1024x128xf32>,
    %reduce_max3A_84 = arith.constant dense<0xFF800000> : vector<1024xf32>
    %reduce_max3A_85 = vector.multi_reduction <maximumf>, %slice3A_77, %reduce_max3A_84 [1] : vector<1024x128xf32> to vector<1024xf32>
    %broadcast_in_dim3A_86 = vector.shape_cast %reduce_max3A_85 : vector<1024xf32> to vector<1024x1xf32>
    %slice3A_87 = vector.extract_strided_slice %add3A_29 {offsets = [0, 768], sizes = [1024, 128], strides = [1, 1]} : vector<1024x2048xf32> to vector<1024x128xf32>
    %swap3A_88 = arith.constant 6 : index
    %swap3A_89 = arith.constant 0 : index
    %swap3A_90 = arith.constant 0 : index
    %swap3A_91 = vector.load %arg3[%swap3A_88, %swap3A_89, %swap3A_90] : memref<16x1024x128xf32, #tpu.memory_space<vmem>>, vector<1x1024x128xf32>
    %swap3A_92 = vector.shape_cast %swap3A_91 : vector<1x1024x128xf32> to vector<1024x128xf32>
    %swap3A_93 = vector.shape_cast %slice3A_87 : vector<1024x128xf32> to vector<1x1024x128xf32>
    tpu.vector_store %arg3[%swap3A_88, %swap3A_89, %swap3A_90], %swap3A_93 {strides = array<i32>} : memref<16x1024x128xf32, #tpu.memory_space<vmem>>, vector<1x1024x128xf32>,
    %reduce_max3A_94 = arith.constant dense<0xFF800000> : vector<1024xf32>
    %reduce_max3A_95 = vector.multi_reduction <maximumf>, %slice3A_87, %reduce_max3A_94 [1] : vector<1024x128xf32> to vector<1024xf32>
    %broadcast_in_dim3A_96 = vector.shape_cast %reduce_max3A_95 : vector<1024xf32> to vector<1024x1xf32>
    %slice3A_97 = vector.extract_strided_slice %add3A_29 {offsets = [0, 896], sizes = [1024, 128], strides = [1, 1]} : vector<1024x2048xf32> to vector<1024x128xf32>
    %swap3A_98 = arith.constant 7 : index
    %swap3A_99 = arith.constant 0 : index
    %swap3A_100 = arith.constant 0 : index
    %swap3A_101 = vector.load %arg3[%swap3A_98, %swap3A_99, %swap3A_100] : memref<16x1024x128xf32, #tpu.memory_space<vmem>>, vector<1x1024x128xf32>
    %swap3A_102 = vector.shape_cast %swap3A_101 : vector<1x1024x128xf32> to vector<1024x128xf32>
    %swap3A_103 = vector.shape_cast %slice3A_97 : vector<1024x128xf32> to vector<1x1024x128xf32>
    tpu.vector_store %arg3[%swap3A_98, %swap3A_99, %swap3A_100], %swap3A_103 {strides = array<i32>} : memref<16x1024x128xf32, #tpu.memory_space<vmem>>, vector<1x1024x128xf32>,
    %reduce_max3A_104 = arith.constant dense<0xFF800000> : vector<1024xf32>
    %reduce_max3A_105 = vector.multi_reduction <maximumf>, %slice3A_97, %reduce_max3A_104 [1] : vector<1024x128xf32> to vector<1024xf32>
    %broadcast_in_dim3A_106 = vector.shape_cast %reduce_max3A_105 : vector<1024xf32> to vector<1024x1xf32>
    %slice3A_107 = vector.extract_strided_slice %add3A_29 {offsets = [0, 1024], sizes = [1024, 128], strides = [1, 1]} : vector<1024x2048xf32> to vector<1024x128xf32>
    %swap3A_108 = arith.constant 8 : index
    %swap3A_109 = arith.constant 0 : index
    %swap3A_110 = arith.constant 0 : index
    %swap3A_111 = vector.load %arg3[%swap3A_108, %swap3A_109, %swap3A_110] : memref<16x1024x128xf32, #tpu.memory_space<vmem>>, vector<1x1024x128xf32>
    %swap3A_112 = vector.shape_cast %swap3A_111 : vector<1x1024x128xf32> to vector<1024x128xf32>
    %swap3A_113 = vector.shape_cast %slice3A_107 : vector<1024x128xf32> to vector<1x1024x128xf32>
    tpu.vector_store %arg3[%swap3A_108, %swap3A_109, %swap3A_110], %swap3A_113 {strides = array<i32>} : memref<16x1024x128xf32, #tpu.memory_space<vmem>>, vector<1x1024x128xf32>,
    %reduce_max3A_114 = arith.constant dense<0xFF800000> : vector<1024xf32>
    %reduce_max3A_115 = vector.multi_reduction <maximumf>, %slice3A_107, %reduce_max3A_114 [1] : vector<1024x128xf32> to vector<1024xf32>
    %broadcast_in_dim3A_116 = vector.shape_cast %reduce_max3A_115 : vector<1024xf32> to vector<1024x1xf32>
    %slice3A_117 = vector.extract_strided_slice %add3A_29 {offsets = [0, 1152], sizes = [1024, 128], strides = [1, 1]} : vector<1024x2048xf32> to vector<1024x128xf32>
    %swap3A_118 = arith.constant 9 : index
    %swap3A_119 = arith.constant 0 : index
    %swap3A_120 = arith.constant 0 : index
    %swap3A_121 = vector.load %arg3[%swap3A_118, %swap3A_119, %swap3A_120] : memref<16x1024x128xf32, #tpu.memory_space<vmem>>, vector<1x1024x128xf32>
    %swap3A_122 = vector.shape_cast %swap3A_121 : vector<1x1024x128xf32> to vector<1024x128xf32>
    %swap3A_123 = vector.shape_cast %slice3A_117 : vector<1024x128xf32> to vector<1x1024x128xf32>
    tpu.vector_store %arg3[%swap3A_118, %swap3A_119, %swap3A_120], %swap3A_123 {strides = array<i32>} : memref<16x1024x128xf32, #tpu.memory_space<vmem>>, vector<1x1024x128xf32>,
    %reduce_max3A_124 = arith.constant dense<0xFF800000> : vector<1024xf32>
    %reduce_max3A_125 = vector.multi_reduction <maximumf>, %slice3A_117, %reduce_max3A_124 [1] : vector<1024x128xf32> to vector<1024xf32>
    %broadcast_in_dim3A_126 = vector.shape_cast %reduce_max3A_125 : vector<1024xf32> to vector<1024x1xf32>
    %slice3A_127 = vector.extract_strided_slice %add3A_29 {offsets = [0, 1280], sizes = [1024, 128], strides = [1, 1]} : vector<1024x2048xf32> to vector<1024x128xf32>
    %swap3A_128 = arith.constant 10 : index
    %swap3A_129 = arith.constant 0 : index
    %swap3A_130 = arith.constant 0 : index
    %swap3A_131 = vector.load %arg3[%swap3A_128, %swap3A_129, %swap3A_130] : memref<16x1024x128xf32, #tpu.memory_space<vmem>>, vector<1x1024x128xf32>
    %swap3A_132 = vector.shape_cast %swap3A_131 : vector<1x1024x128xf32> to vector<1024x128xf32>
    %swap3A_133 = vector.shape_cast %slice3A_127 : vector<1024x128xf32> to vector<1x1024x128xf32>
    tpu.vector_store %arg3[%swap3A_128, %swap3A_129, %swap3A_130], %swap3A_133 {strides = array<i32>} : memref<16x1024x128xf32, #tpu.memory_space<vmem>>, vector<1x1024x128xf32>,
    %reduce_max3A_134 = arith.constant dense<0xFF800000> : vector<1024xf32>
    %reduce_max3A_135 = vector.multi_reduction <maximumf>, %slice3A_127, %reduce_max3A_134 [1] : vector<1024x128xf32> to vector<1024xf32>
    %broadcast_in_dim3A_136 = vector.shape_cast %reduce_max3A_135 : vector<1024xf32> to vector<1024x1xf32>
    %slice3A_137 = vector.extract_strided_slice %add3A_29 {offsets = [0, 1408], sizes = [1024, 128], strides = [1, 1]} : vector<1024x2048xf32> to vector<1024x128xf32>
    %swap3A_138 = arith.constant 11 : index
    %swap3A_139 = arith.constant 0 : index
    %swap3A_140 = arith.constant 0 : index
    %swap3A_141 = vector.load %arg3[%swap3A_138, %swap3A_139, %swap3A_140] : memref<16x1024x128xf32, #tpu.memory_space<vmem>>, vector<1x1024x128xf32>
    %swap3A_142 = vector.shape_cast %swap3A_141 : vector<1x1024x128xf32> to vector<1024x128xf32>
    %swap3A_143 = vector.shape_cast %slice3A_137 : vector<1024x128xf32> to vector<1x1024x128xf32>
    tpu.vector_store %arg3[%swap3A_138, %swap3A_139, %swap3A_140], %swap3A_143 {strides = array<i32>} : memref<16x1024x128xf32, #tpu.memory_space<vmem>>, vector<1x1024x128xf32>,
    %reduce_max3A_144 = arith.constant dense<0xFF800000> : vector<1024xf32>
    %reduce_max3A_145 = vector.multi_reduction <maximumf>, %slice3A_137, %reduce_max3A_144 [1] : vector<1024x128xf32> to vector<1024xf32>
    %broadcast_in_dim3A_146 = vector.shape_cast %reduce_max3A_145 : vector<1024xf32> to vector<1024x1xf32>
    %slice3A_147 = vector.extract_strided_slice %add3A_29 {offsets = [0, 1536], sizes = [1024, 128], strides = [1, 1]} : vector<1024x2048xf32> to vector<1024x128xf32>
    %swap3A_148 = arith.constant 12 : index
    %swap3A_149 = arith.constant 0 : index
    %swap3A_150 = arith.constant 0 : index
    %swap3A_151 = vector.load %arg3[%swap3A_148, %swap3A_149, %swap3A_150] : memref<16x1024x128xf32, #tpu.memory_space<vmem>>, vector<1x1024x128xf32>
    %swap3A_152 = vector.shape_cast %swap3A_151 : vector<1x1024x128xf32> to vector<1024x128xf32>
    %swap3A_153 = vector.shape_cast %slice3A_147 : vector<1024x128xf32> to vector<1x1024x128xf32>
    tpu.vector_store %arg3[%swap3A_148, %swap3A_149, %swap3A_150], %swap3A_153 {strides = array<i32>} : memref<16x1024x128xf32, #tpu.memory_space<vmem>>, vector<1x1024x128xf32>,
    %reduce_max3A_154 = arith.constant dense<0xFF800000> : vector<1024xf32>
    %reduce_max3A_155 = vector.multi_reduction <maximumf>, %slice3A_147, %reduce_max3A_154 [1] : vector<1024x128xf32> to vector<1024xf32>
    %broadcast_in_dim3A_156 = vector.shape_cast %reduce_max3A_155 : vector<1024xf32> to vector<1024x1xf32>
    %slice3A_157 = vector.extract_strided_slice %add3A_29 {offsets = [0, 1664], sizes = [1024, 128], strides = [1, 1]} : vector<1024x2048xf32> to vector<1024x128xf32>
    %swap3A_158 = arith.constant 13 : index
    %swap3A_159 = arith.constant 0 : index
    %swap3A_160 = arith.constant 0 : index
    %swap3A_161 = vector.load %arg3[%swap3A_158, %swap3A_159, %swap3A_160] : memref<16x1024x128xf32, #tpu.memory_space<vmem>>, vector<1x1024x128xf32>
    %swap3A_162 = vector.shape_cast %swap3A_161 : vector<1x1024x128xf32> to vector<1024x128xf32>
    %swap3A_163 = vector.shape_cast %slice3A_157 : vector<1024x128xf32> to vector<1x1024x128xf32>
    tpu.vector_store %arg3[%swap3A_158, %swap3A_159, %swap3A_160], %swap3A_163 {strides = array<i32>} : memref<16x1024x128xf32, #tpu.memory_space<vmem>>, vector<1x1024x128xf32>,
    %reduce_max3A_164 = arith.constant dense<0xFF800000> : vector<1024xf32>
    %reduce_max3A_165 = vector.multi_reduction <maximumf>, %slice3A_157, %reduce_max3A_164 [1] : vector<1024x128xf32> to vector<1024xf32>
    %broadcast_in_dim3A_166 = vector.shape_cast %reduce_max3A_165 : vector<1024xf32> to vector<1024x1xf32>
    %slice3A_167 = vector.extract_strided_slice %add3A_29 {offsets = [0, 1792], sizes = [1024, 128], strides = [1, 1]} : vector<1024x2048xf32> to vector<1024x128xf32>
    %swap3A_168 = arith.constant 14 : index
    %swap3A_169 = arith.constant 0 : index
    %swap3A_170 = arith.constant 0 : index
    %swap3A_171 = vector.load %arg3[%swap3A_168, %swap3A_169, %swap3A_170] : memref<16x1024x128xf32, #tpu.memory_space<vmem>>, vector<1x1024x128xf32>
    %swap3A_172 = vector.shape_cast %swap3A_171 : vector<1x1024x128xf32> to vector<1024x128xf32>
    %swap3A_173 = vector.shape_cast %slice3A_167 : vector<1024x128xf32> to vector<1x1024x128xf32>
    tpu.vector_store %arg3[%swap3A_168, %swap3A_169, %swap3A_170], %swap3A_173 {strides = array<i32>} : memref<16x1024x128xf32, #tpu.memory_space<vmem>>, vector<1x1024x128xf32>,
    %reduce_max3A_174 = arith.constant dense<0xFF800000> : vector<1024xf32>
    %reduce_max3A_175 = vector.multi_reduction <maximumf>, %slice3A_167, %reduce_max3A_174 [1] : vector<1024x128xf32> to vector<1024xf32>
    %broadcast_in_dim3A_176 = vector.shape_cast %reduce_max3A_175 : vector<1024xf32> to vector<1024x1xf32>
    %slice3A_177 = vector.extract_strided_slice %add3A_29 {offsets = [0, 1920], sizes = [1024, 128], strides = [1, 1]} : vector<1024x2048xf32> to vector<1024x128xf32>
    %swap3A_178 = arith.constant 15 : index
    %swap3A_179 = arith.constant 0 : index
    %swap3A_180 = arith.constant 0 : index
    %swap3A_181 = vector.load %arg3[%swap3A_178, %swap3A_179, %swap3A_180] : memref<16x1024x128xf32, #tpu.memory_space<vmem>>, vector<1x1024x128xf32>
    %swap3A_182 = vector.shape_cast %swap3A_181 : vector<1x1024x128xf32> to vector<1024x128xf32>
    %swap3A_183 = vector.shape_cast %slice3A_177 : vector<1024x128xf32> to vector<1x1024x128xf32>
    tpu.vector_store %arg3[%swap3A_178, %swap3A_179, %swap3A_180], %swap3A_183 {strides = array<i32>} : memref<16x1024x128xf32, #tpu.memory_space<vmem>>, vector<1x1024x128xf32>,
    %reduce_max3A_184 = arith.constant dense<0xFF800000> : vector<1024xf32>
    %reduce_max3A_185 = vector.multi_reduction <maximumf>, %slice3A_177, %reduce_max3A_184 [1] : vector<1024x128xf32> to vector<1024xf32>
    %broadcast_in_dim3A_186 = vector.shape_cast %reduce_max3A_185 : vector<1024xf32> to vector<1024x1xf32>
    %concatenate3A = tpu.concatenate %broadcast_in_dim3A_36, %broadcast_in_dim3A_46, %broadcast_in_dim3A_56, %broadcast_in_dim3A_66, %broadcast_in_dim3A_76, %broadcast_in_dim3A_86, %broadcast_in_dim3A_96, %broadcast_in_dim3A_106, %broadcast_in_dim3A_116, %broadcast_in_dim3A_126, %broadcast_in_dim3A_136, %broadcast_in_dim3A_146, %broadcast_in_dim3A_156, %broadcast_in_dim3A_166, %broadcast_in_dim3A_176, %broadcast_in_dim3A_186 in 1 : vector<1024x1xf32>, vector<1024x1xf32>, vector<1024x1xf32>, vector<1024x1xf32>, vector<1024x1xf32>, vector<1024x1xf32>, vector<1024x1xf32>, vector<1024x1xf32>, vector<1024x1xf32>, vector<1024x1xf32>, vector<1024x1xf32>, vector<1024x1xf32>, vector<1024x1xf32>, vector<1024x1xf32>, vector<1024x1xf32>, vector<1024x1xf32> -> vector<1024x16xf32>
    %swap3A_187 = arith.constant 0 : index
    %swap3A_188 = arith.constant 0 : index
    %swap3A_189 = arith.constant 0 : index
    %swap3A_190 = vector.load %arg4[%swap3A_187, %swap3A_188, %swap3A_189] : memref<1x1024x16xf32, #tpu.memory_space<vmem>>, vector<1x1024x16xf32>
    %swap3A_191 = vector.shape_cast %swap3A_190 : vector<1x1024x16xf32> to vector<1024x16xf32>
    %swap3A_192 = vector.shape_cast %concatenate3A : vector<1024x16xf32> to vector<1x1024x16xf32>
    tpu.vector_store %arg4[%swap3A_187, %swap3A_188, %swap3A_189], %swap3A_192 {strides = array<i32>} : memref<1x1024x16xf32, #tpu.memory_space<vmem>>, vector<1x1024x16xf32>,
    return
  }
  func.func @transform_0(%arg0: i32) -> (i32, i32) {
    %c0_i32 = arith.constant 0 : i32
    %c0_i32_0 = arith.constant 0 : i32
    %c0_i32_1 = arith.constant 0 : i32
    return %c0_i32, %c0_i32_0 : i32, i32
  }
  func.func @transform_1(%arg0: i32) -> (i32, i32) {
    %c0_i32 = arith.constant 0 : i32
    %c0_i32_0 = arith.constant 0 : i32
    return %arg0, %c0_i32 : i32, i32
  }
  func.func @transform_2(%arg0: i32) -> (i32, i32, i32) {
    %c0_i32 = arith.constant 0 : i32
    %c0_i32_0 = arith.constant 0 : i32
    %c0_i32_1 = arith.constant 0 : i32
    return %arg0, %c0_i32, %c0_i32_0 : i32, i32, i32
  }
  func.func @transform_3(%arg0: i32) -> (i32, i32, i32) {
    %c0_i32 = arith.constant 0 : i32
    %c0_i32_0 = arith.constant 0 : i32
    %c0_i32_1 = arith.constant 0 : i32
    return %arg0, %c0_i32, %c0_i32_0 : i32, i32, i32
  }
}

module attributes {stable_mosaic.version = 14 : i64} {
  func.func @_topgrp_body(%arg0: memref<1024x784xf32, #tpu.memory_space<vmem>>, %arg1: memref<1024x8xi32, #tpu.memory_space<vmem>>) attributes {dimension_semantics = [], scalar_prefetch = 0 : i64, scratch_operands = 0 : i64, tpu.core_type = #tpu.core_type<tc>} {
    %get3A = arith.constant 0 : index
    %get3A_0 = arith.constant 0 : index
    %get3A_1 = vector.load %arg0[%get3A, %get3A_0] : memref<1024x784xf32, #tpu.memory_space<vmem>>, vector<1024x784xf32>
    %iota3A = tpu.iota {dimensions = array<i32: 1>} : vector<1024x784xi32>
    %reduce_max3A = arith.constant dense<0xFF800000> : vector<1024xf32>
    %reduce_max3A_2 = vector.multi_reduction <maximumf>, %get3A_1, %reduce_max3A [1] : vector<1024x784xf32> to vector<1024xf32>
    %broadcast_in_dim3A = vector.shape_cast %reduce_max3A_2 : vector<1024xf32> to vector<1024x1xf32>
    %eq3A = vector.broadcast %broadcast_in_dim3A : vector<1024x1xf32> to vector<1024x784xf32>
    %eq3A_3 = arith.cmpf oeq, %get3A_1, %eq3A : vector<1024x784xf32>
    %jit3A = arith.constant 1073741823 : i32
    %broadcast_in_dim3A_4 = vector.broadcast %jit3A : i32 to vector<1024x784xi32>
    %select_n3A = arith.select %eq3A_3, %iota3A, %broadcast_in_dim3A_4 : vector<1024x784xi1>, vector<1024x784xi32>
    %reduce_min3A = arith.constant dense<2147483647> : vector<1024xi32>
    %reduce_min3A_5 = vector.multi_reduction <minsi>, %select_n3A, %reduce_min3A [1] : vector<1024x784xi32> to vector<1024xi32>
    %broadcast_in_dim3A_6 = vector.shape_cast %reduce_min3A_5 : vector<1024xi32> to vector<1024x1xi32>
    %eq3A_7 = vector.broadcast %broadcast_in_dim3A_6 : vector<1024x1xi32> to vector<1024x784xi32>
    %eq3A_8 = arith.cmpi eq, %iota3A, %eq3A_7 : vector<1024x784xi32>
    %jit3A_9 = arith.constant -3.000000e+38 : f32
    %broadcast_in_dim3A_10 = vector.broadcast %jit3A_9 : f32 to vector<1024x784xf32>
    %select_n3A_11 = arith.select %eq3A_8, %broadcast_in_dim3A_10, %get3A_1 : vector<1024x784xi1>, vector<1024x784xf32>
    %reduce_max3A_12 = arith.constant dense<0xFF800000> : vector<1024xf32>
    %reduce_max3A_13 = vector.multi_reduction <maximumf>, %select_n3A_11, %reduce_max3A_12 [1] : vector<1024x784xf32> to vector<1024xf32>
    %broadcast_in_dim3A_14 = vector.shape_cast %reduce_max3A_13 : vector<1024xf32> to vector<1024x1xf32>
    %eq3A_15 = vector.broadcast %broadcast_in_dim3A_14 : vector<1024x1xf32> to vector<1024x784xf32>
    %eq3A_16 = arith.cmpf oeq, %select_n3A_11, %eq3A_15 : vector<1024x784xf32>
    %jit3A_17 = arith.constant 1073741823 : i32
    %broadcast_in_dim3A_18 = vector.broadcast %jit3A_17 : i32 to vector<1024x784xi32>
    %select_n3A_19 = arith.select %eq3A_16, %iota3A, %broadcast_in_dim3A_18 : vector<1024x784xi1>, vector<1024x784xi32>
    %reduce_min3A_20 = arith.constant dense<2147483647> : vector<1024xi32>
    %reduce_min3A_21 = vector.multi_reduction <minsi>, %select_n3A_19, %reduce_min3A_20 [1] : vector<1024x784xi32> to vector<1024xi32>
    %broadcast_in_dim3A_22 = vector.shape_cast %reduce_min3A_21 : vector<1024xi32> to vector<1024x1xi32>
    %eq3A_23 = vector.broadcast %broadcast_in_dim3A_22 : vector<1024x1xi32> to vector<1024x784xi32>
    %eq3A_24 = arith.cmpi eq, %iota3A, %eq3A_23 : vector<1024x784xi32>
    %jit3A_25 = arith.constant -3.000000e+38 : f32
    %broadcast_in_dim3A_26 = vector.broadcast %jit3A_25 : f32 to vector<1024x784xf32>
    %select_n3A_27 = arith.select %eq3A_24, %broadcast_in_dim3A_26, %select_n3A_11 : vector<1024x784xi1>, vector<1024x784xf32>
    %reduce_max3A_28 = arith.constant dense<0xFF800000> : vector<1024xf32>
    %reduce_max3A_29 = vector.multi_reduction <maximumf>, %select_n3A_27, %reduce_max3A_28 [1] : vector<1024x784xf32> to vector<1024xf32>
    %broadcast_in_dim3A_30 = vector.shape_cast %reduce_max3A_29 : vector<1024xf32> to vector<1024x1xf32>
    %eq3A_31 = vector.broadcast %broadcast_in_dim3A_30 : vector<1024x1xf32> to vector<1024x784xf32>
    %eq3A_32 = arith.cmpf oeq, %select_n3A_27, %eq3A_31 : vector<1024x784xf32>
    %jit3A_33 = arith.constant 1073741823 : i32
    %broadcast_in_dim3A_34 = vector.broadcast %jit3A_33 : i32 to vector<1024x784xi32>
    %select_n3A_35 = arith.select %eq3A_32, %iota3A, %broadcast_in_dim3A_34 : vector<1024x784xi1>, vector<1024x784xi32>
    %reduce_min3A_36 = arith.constant dense<2147483647> : vector<1024xi32>
    %reduce_min3A_37 = vector.multi_reduction <minsi>, %select_n3A_35, %reduce_min3A_36 [1] : vector<1024x784xi32> to vector<1024xi32>
    %broadcast_in_dim3A_38 = vector.shape_cast %reduce_min3A_37 : vector<1024xi32> to vector<1024x1xi32>
    %eq3A_39 = vector.broadcast %broadcast_in_dim3A_38 : vector<1024x1xi32> to vector<1024x784xi32>
    %eq3A_40 = arith.cmpi eq, %iota3A, %eq3A_39 : vector<1024x784xi32>
    %jit3A_41 = arith.constant -3.000000e+38 : f32
    %broadcast_in_dim3A_42 = vector.broadcast %jit3A_41 : f32 to vector<1024x784xf32>
    %select_n3A_43 = arith.select %eq3A_40, %broadcast_in_dim3A_42, %select_n3A_27 : vector<1024x784xi1>, vector<1024x784xf32>
    %reduce_max3A_44 = arith.constant dense<0xFF800000> : vector<1024xf32>
    %reduce_max3A_45 = vector.multi_reduction <maximumf>, %select_n3A_43, %reduce_max3A_44 [1] : vector<1024x784xf32> to vector<1024xf32>
    %broadcast_in_dim3A_46 = vector.shape_cast %reduce_max3A_45 : vector<1024xf32> to vector<1024x1xf32>
    %eq3A_47 = vector.broadcast %broadcast_in_dim3A_46 : vector<1024x1xf32> to vector<1024x784xf32>
    %eq3A_48 = arith.cmpf oeq, %select_n3A_43, %eq3A_47 : vector<1024x784xf32>
    %jit3A_49 = arith.constant 1073741823 : i32
    %broadcast_in_dim3A_50 = vector.broadcast %jit3A_49 : i32 to vector<1024x784xi32>
    %select_n3A_51 = arith.select %eq3A_48, %iota3A, %broadcast_in_dim3A_50 : vector<1024x784xi1>, vector<1024x784xi32>
    %reduce_min3A_52 = arith.constant dense<2147483647> : vector<1024xi32>
    %reduce_min3A_53 = vector.multi_reduction <minsi>, %select_n3A_51, %reduce_min3A_52 [1] : vector<1024x784xi32> to vector<1024xi32>
    %broadcast_in_dim3A_54 = vector.shape_cast %reduce_min3A_53 : vector<1024xi32> to vector<1024x1xi32>
    %eq3A_55 = vector.broadcast %broadcast_in_dim3A_54 : vector<1024x1xi32> to vector<1024x784xi32>
    %eq3A_56 = arith.cmpi eq, %iota3A, %eq3A_55 : vector<1024x784xi32>
    %jit3A_57 = arith.constant -3.000000e+38 : f32
    %broadcast_in_dim3A_58 = vector.broadcast %jit3A_57 : f32 to vector<1024x784xf32>
    %select_n3A_59 = arith.select %eq3A_56, %broadcast_in_dim3A_58, %select_n3A_43 : vector<1024x784xi1>, vector<1024x784xf32>
    %reduce_max3A_60 = arith.constant dense<0xFF800000> : vector<1024xf32>
    %reduce_max3A_61 = vector.multi_reduction <maximumf>, %select_n3A_59, %reduce_max3A_60 [1] : vector<1024x784xf32> to vector<1024xf32>
    %broadcast_in_dim3A_62 = vector.shape_cast %reduce_max3A_61 : vector<1024xf32> to vector<1024x1xf32>
    %eq3A_63 = vector.broadcast %broadcast_in_dim3A_62 : vector<1024x1xf32> to vector<1024x784xf32>
    %eq3A_64 = arith.cmpf oeq, %select_n3A_59, %eq3A_63 : vector<1024x784xf32>
    %jit3A_65 = arith.constant 1073741823 : i32
    %broadcast_in_dim3A_66 = vector.broadcast %jit3A_65 : i32 to vector<1024x784xi32>
    %select_n3A_67 = arith.select %eq3A_64, %iota3A, %broadcast_in_dim3A_66 : vector<1024x784xi1>, vector<1024x784xi32>
    %reduce_min3A_68 = arith.constant dense<2147483647> : vector<1024xi32>
    %reduce_min3A_69 = vector.multi_reduction <minsi>, %select_n3A_67, %reduce_min3A_68 [1] : vector<1024x784xi32> to vector<1024xi32>
    %broadcast_in_dim3A_70 = vector.shape_cast %reduce_min3A_69 : vector<1024xi32> to vector<1024x1xi32>
    %broadcast_in_dim3A_71 = arith.constant 0 : i32
    %broadcast_in_dim3A_72 = vector.broadcast %broadcast_in_dim3A_71 : i32 to vector<1024x3xi32>
    %concatenate3A = tpu.concatenate %broadcast_in_dim3A_6, %broadcast_in_dim3A_22, %broadcast_in_dim3A_38, %broadcast_in_dim3A_54, %broadcast_in_dim3A_70, %broadcast_in_dim3A_72 in 1 : vector<1024x1xi32>, vector<1024x1xi32>, vector<1024x1xi32>, vector<1024x1xi32>, vector<1024x1xi32>, vector<1024x3xi32> -> vector<1024x8xi32>
    %swap3A = arith.constant 0 : index
    %swap3A_73 = arith.constant 0 : index
    %swap3A_74 = vector.load %arg1[%swap3A, %swap3A_73] : memref<1024x8xi32, #tpu.memory_space<vmem>>, vector<1024x8xi32>
    tpu.vector_store %arg1[%swap3A, %swap3A_73], %concatenate3A {strides = array<i32>} : memref<1024x8xi32, #tpu.memory_space<vmem>>, vector<1024x8xi32>,
    return
  }
}

module attributes {stable_mosaic.version = 14 : i64} {
  func.func @_topel_body(%arg0: memref<5x1024x128xf32, #tpu.memory_space<vmem>>, %arg1: memref<1024x8xi32, #tpu.memory_space<vmem>>, %arg2: memref<1024x8xf32, #tpu.memory_space<vmem>>, %arg3: memref<1024x8xi32, #tpu.memory_space<vmem>>) attributes {dimension_semantics = [], scalar_prefetch = 0 : i64, scratch_operands = 0 : i64, tpu.core_type = #tpu.core_type<tc>} {
    %iota3A = tpu.iota {dimensions = array<i32: 1>} : vector<1024x128xi32>
    %get3A = arith.constant 0 : index
    %get3A_0 = arith.constant 0 : index
    %get3A_1 = arith.constant 0 : index
    %get3A_2 = vector.load %arg0[%get3A, %get3A_0, %get3A_1] : memref<5x1024x128xf32, #tpu.memory_space<vmem>>, vector<1x1024x128xf32>
    %get3A_3 = vector.shape_cast %get3A_2 : vector<1x1024x128xf32> to vector<1024x128xf32>
    %get3A_4 = arith.constant 0 : index
    %get3A_5 = arith.constant 0 : index
    %get3A_6 = vector.load %arg1[%get3A_4, %get3A_5] : memref<1024x8xi32, #tpu.memory_space<vmem>>, vector<1024x1xi32>
    %mul3A = arith.constant 128 : i32
    %mul3A_7 = vector.broadcast %mul3A : i32 to vector<1024x1xi32>
    %mul3A_8 = arith.muli %get3A_6, %mul3A_7 : vector<1024x1xi32>
    %add3A = vector.broadcast %mul3A_8 : vector<1024x1xi32> to vector<1024x128xi32>
    %add3A_9 = arith.addi %add3A, %iota3A : vector<1024x128xi32>
    %get3A_10 = arith.constant 1 : index
    %get3A_11 = arith.constant 0 : index
    %get3A_12 = arith.constant 0 : index
    %get3A_13 = vector.load %arg0[%get3A_10, %get3A_11, %get3A_12] : memref<5x1024x128xf32, #tpu.memory_space<vmem>>, vector<1x1024x128xf32>
    %get3A_14 = vector.shape_cast %get3A_13 : vector<1x1024x128xf32> to vector<1024x128xf32>
    %get3A_15 = arith.constant 0 : index
    %get3A_16 = arith.constant 1 : index
    %get3A_17 = vector.load %arg1[%get3A_15, %get3A_16] : memref<1024x8xi32, #tpu.memory_space<vmem>>, vector<1024x1xi32>
    %mul3A_18 = arith.constant 128 : i32
    %mul3A_19 = vector.broadcast %mul3A_18 : i32 to vector<1024x1xi32>
    %mul3A_20 = arith.muli %get3A_17, %mul3A_19 : vector<1024x1xi32>
    %add3A_21 = vector.broadcast %mul3A_20 : vector<1024x1xi32> to vector<1024x128xi32>
    %add3A_22 = arith.addi %add3A_21, %iota3A : vector<1024x128xi32>
    %get3A_23 = arith.constant 2 : index
    %get3A_24 = arith.constant 0 : index
    %get3A_25 = arith.constant 0 : index
    %get3A_26 = vector.load %arg0[%get3A_23, %get3A_24, %get3A_25] : memref<5x1024x128xf32, #tpu.memory_space<vmem>>, vector<1x1024x128xf32>
    %get3A_27 = vector.shape_cast %get3A_26 : vector<1x1024x128xf32> to vector<1024x128xf32>
    %get3A_28 = arith.constant 0 : index
    %get3A_29 = arith.constant 2 : index
    %get3A_30 = vector.load %arg1[%get3A_28, %get3A_29] : memref<1024x8xi32, #tpu.memory_space<vmem>>, vector<1024x1xi32>
    %mul3A_31 = arith.constant 128 : i32
    %mul3A_32 = vector.broadcast %mul3A_31 : i32 to vector<1024x1xi32>
    %mul3A_33 = arith.muli %get3A_30, %mul3A_32 : vector<1024x1xi32>
    %add3A_34 = vector.broadcast %mul3A_33 : vector<1024x1xi32> to vector<1024x128xi32>
    %add3A_35 = arith.addi %add3A_34, %iota3A : vector<1024x128xi32>
    %get3A_36 = arith.constant 3 : index
    %get3A_37 = arith.constant 0 : index
    %get3A_38 = arith.constant 0 : index
    %get3A_39 = vector.load %arg0[%get3A_36, %get3A_37, %get3A_38] : memref<5x1024x128xf32, #tpu.memory_space<vmem>>, vector<1x1024x128xf32>
    %get3A_40 = vector.shape_cast %get3A_39 : vector<1x1024x128xf32> to vector<1024x128xf32>
    %get3A_41 = arith.constant 0 : index
    %get3A_42 = arith.constant 3 : index
    %get3A_43 = vector.load %arg1[%get3A_41, %get3A_42] : memref<1024x8xi32, #tpu.memory_space<vmem>>, vector<1024x1xi32>
    %mul3A_44 = arith.constant 128 : i32
    %mul3A_45 = vector.broadcast %mul3A_44 : i32 to vector<1024x1xi32>
    %mul3A_46 = arith.muli %get3A_43, %mul3A_45 : vector<1024x1xi32>
    %add3A_47 = vector.broadcast %mul3A_46 : vector<1024x1xi32> to vector<1024x128xi32>
    %add3A_48 = arith.addi %add3A_47, %iota3A : vector<1024x128xi32>
    %get3A_49 = arith.constant 4 : index
    %get3A_50 = arith.constant 0 : index
    %get3A_51 = arith.constant 0 : index
    %get3A_52 = vector.load %arg0[%get3A_49, %get3A_50, %get3A_51] : memref<5x1024x128xf32, #tpu.memory_space<vmem>>, vector<1x1024x128xf32>
    %get3A_53 = vector.shape_cast %get3A_52 : vector<1x1024x128xf32> to vector<1024x128xf32>
    %get3A_54 = arith.constant 0 : index
    %get3A_55 = arith.constant 4 : index
    %get3A_56 = vector.load %arg1[%get3A_54, %get3A_55] : memref<1024x8xi32, #tpu.memory_space<vmem>>, vector<1024x1xi32>
    %mul3A_57 = arith.constant 128 : i32
    %mul3A_58 = vector.broadcast %mul3A_57 : i32 to vector<1024x1xi32>
    %mul3A_59 = arith.muli %get3A_56, %mul3A_58 : vector<1024x1xi32>
    %add3A_60 = vector.broadcast %mul3A_59 : vector<1024x1xi32> to vector<1024x128xi32>
    %add3A_61 = arith.addi %add3A_60, %iota3A : vector<1024x128xi32>
    %concatenate3A = tpu.concatenate %get3A_3, %get3A_14, %get3A_27, %get3A_40, %get3A_53 in 1 : vector<1024x128xf32>, vector<1024x128xf32>, vector<1024x128xf32>, vector<1024x128xf32>, vector<1024x128xf32> -> vector<1024x640xf32>
    %concatenate3A_62 = tpu.concatenate %add3A_9, %add3A_22, %add3A_35, %add3A_48, %add3A_61 in 1 : vector<1024x128xi32>, vector<1024x128xi32>, vector<1024x128xi32>, vector<1024x128xi32>, vector<1024x128xi32> -> vector<1024x640xi32>
    %reduce_max3A = arith.constant dense<0xFF800000> : vector<1024xf32>
    %reduce_max3A_63 = vector.multi_reduction <maximumf>, %concatenate3A, %reduce_max3A [1] : vector<1024x640xf32> to vector<1024xf32>
    %broadcast_in_dim3A = vector.shape_cast %reduce_max3A_63 : vector<1024xf32> to vector<1024x1xf32>
    %eq3A = vector.broadcast %broadcast_in_dim3A : vector<1024x1xf32> to vector<1024x640xf32>
    %eq3A_64 = arith.cmpf oeq, %concatenate3A, %eq3A : vector<1024x640xf32>
    %jit3A = arith.constant 1073741823 : i32
    %broadcast_in_dim3A_65 = vector.broadcast %jit3A : i32 to vector<1024x640xi32>
    %select_n3A = arith.select %eq3A_64, %concatenate3A_62, %broadcast_in_dim3A_65 : vector<1024x640xi1>, vector<1024x640xi32>
    %reduce_min3A = arith.constant dense<2147483647> : vector<1024xi32>
    %reduce_min3A_66 = vector.multi_reduction <minsi>, %select_n3A, %reduce_min3A [1] : vector<1024x640xi32> to vector<1024xi32>
    %broadcast_in_dim3A_67 = vector.shape_cast %reduce_min3A_66 : vector<1024xi32> to vector<1024x1xi32>
    %eq3A_68 = vector.broadcast %broadcast_in_dim3A_67 : vector<1024x1xi32> to vector<1024x640xi32>
    %eq3A_69 = arith.cmpi eq, %concatenate3A_62, %eq3A_68 : vector<1024x640xi32>
    %jit3A_70 = arith.constant -3.000000e+38 : f32
    %broadcast_in_dim3A_71 = vector.broadcast %jit3A_70 : f32 to vector<1024x640xf32>
    %select_n3A_72 = arith.select %eq3A_69, %broadcast_in_dim3A_71, %concatenate3A : vector<1024x640xi1>, vector<1024x640xf32>
    %reduce_max3A_73 = arith.constant dense<0xFF800000> : vector<1024xf32>
    %reduce_max3A_74 = vector.multi_reduction <maximumf>, %select_n3A_72, %reduce_max3A_73 [1] : vector<1024x640xf32> to vector<1024xf32>
    %broadcast_in_dim3A_75 = vector.shape_cast %reduce_max3A_74 : vector<1024xf32> to vector<1024x1xf32>
    %eq3A_76 = vector.broadcast %broadcast_in_dim3A_75 : vector<1024x1xf32> to vector<1024x640xf32>
    %eq3A_77 = arith.cmpf oeq, %select_n3A_72, %eq3A_76 : vector<1024x640xf32>
    %jit3A_78 = arith.constant 1073741823 : i32
    %broadcast_in_dim3A_79 = vector.broadcast %jit3A_78 : i32 to vector<1024x640xi32>
    %select_n3A_80 = arith.select %eq3A_77, %concatenate3A_62, %broadcast_in_dim3A_79 : vector<1024x640xi1>, vector<1024x640xi32>
    %reduce_min3A_81 = arith.constant dense<2147483647> : vector<1024xi32>
    %reduce_min3A_82 = vector.multi_reduction <minsi>, %select_n3A_80, %reduce_min3A_81 [1] : vector<1024x640xi32> to vector<1024xi32>
    %broadcast_in_dim3A_83 = vector.shape_cast %reduce_min3A_82 : vector<1024xi32> to vector<1024x1xi32>
    %eq3A_84 = vector.broadcast %broadcast_in_dim3A_83 : vector<1024x1xi32> to vector<1024x640xi32>
    %eq3A_85 = arith.cmpi eq, %concatenate3A_62, %eq3A_84 : vector<1024x640xi32>
    %jit3A_86 = arith.constant -3.000000e+38 : f32
    %broadcast_in_dim3A_87 = vector.broadcast %jit3A_86 : f32 to vector<1024x640xf32>
    %select_n3A_88 = arith.select %eq3A_85, %broadcast_in_dim3A_87, %select_n3A_72 : vector<1024x640xi1>, vector<1024x640xf32>
    %reduce_max3A_89 = arith.constant dense<0xFF800000> : vector<1024xf32>
    %reduce_max3A_90 = vector.multi_reduction <maximumf>, %select_n3A_88, %reduce_max3A_89 [1] : vector<1024x640xf32> to vector<1024xf32>
    %broadcast_in_dim3A_91 = vector.shape_cast %reduce_max3A_90 : vector<1024xf32> to vector<1024x1xf32>
    %eq3A_92 = vector.broadcast %broadcast_in_dim3A_91 : vector<1024x1xf32> to vector<1024x640xf32>
    %eq3A_93 = arith.cmpf oeq, %select_n3A_88, %eq3A_92 : vector<1024x640xf32>
    %jit3A_94 = arith.constant 1073741823 : i32
    %broadcast_in_dim3A_95 = vector.broadcast %jit3A_94 : i32 to vector<1024x640xi32>
    %select_n3A_96 = arith.select %eq3A_93, %concatenate3A_62, %broadcast_in_dim3A_95 : vector<1024x640xi1>, vector<1024x640xi32>
    %reduce_min3A_97 = arith.constant dense<2147483647> : vector<1024xi32>
    %reduce_min3A_98 = vector.multi_reduction <minsi>, %select_n3A_96, %reduce_min3A_97 [1] : vector<1024x640xi32> to vector<1024xi32>
    %broadcast_in_dim3A_99 = vector.shape_cast %reduce_min3A_98 : vector<1024xi32> to vector<1024x1xi32>
    %eq3A_100 = vector.broadcast %broadcast_in_dim3A_99 : vector<1024x1xi32> to vector<1024x640xi32>
    %eq3A_101 = arith.cmpi eq, %concatenate3A_62, %eq3A_100 : vector<1024x640xi32>
    %jit3A_102 = arith.constant -3.000000e+38 : f32
    %broadcast_in_dim3A_103 = vector.broadcast %jit3A_102 : f32 to vector<1024x640xf32>
    %select_n3A_104 = arith.select %eq3A_101, %broadcast_in_dim3A_103, %select_n3A_88 : vector<1024x640xi1>, vector<1024x640xf32>
    %reduce_max3A_105 = arith.constant dense<0xFF800000> : vector<1024xf32>
    %reduce_max3A_106 = vector.multi_reduction <maximumf>, %select_n3A_104, %reduce_max3A_105 [1] : vector<1024x640xf32> to vector<1024xf32>
    %broadcast_in_dim3A_107 = vector.shape_cast %reduce_max3A_106 : vector<1024xf32> to vector<1024x1xf32>
    %eq3A_108 = vector.broadcast %broadcast_in_dim3A_107 : vector<1024x1xf32> to vector<1024x640xf32>
    %eq3A_109 = arith.cmpf oeq, %select_n3A_104, %eq3A_108 : vector<1024x640xf32>
    %jit3A_110 = arith.constant 1073741823 : i32
    %broadcast_in_dim3A_111 = vector.broadcast %jit3A_110 : i32 to vector<1024x640xi32>
    %select_n3A_112 = arith.select %eq3A_109, %concatenate3A_62, %broadcast_in_dim3A_111 : vector<1024x640xi1>, vector<1024x640xi32>
    %reduce_min3A_113 = arith.constant dense<2147483647> : vector<1024xi32>
    %reduce_min3A_114 = vector.multi_reduction <minsi>, %select_n3A_112, %reduce_min3A_113 [1] : vector<1024x640xi32> to vector<1024xi32>
    %broadcast_in_dim3A_115 = vector.shape_cast %reduce_min3A_114 : vector<1024xi32> to vector<1024x1xi32>
    %eq3A_116 = vector.broadcast %broadcast_in_dim3A_115 : vector<1024x1xi32> to vector<1024x640xi32>
    %eq3A_117 = arith.cmpi eq, %concatenate3A_62, %eq3A_116 : vector<1024x640xi32>
    %jit3A_118 = arith.constant -3.000000e+38 : f32
    %broadcast_in_dim3A_119 = vector.broadcast %jit3A_118 : f32 to vector<1024x640xf32>
    %select_n3A_120 = arith.select %eq3A_117, %broadcast_in_dim3A_119, %select_n3A_104 : vector<1024x640xi1>, vector<1024x640xf32>
    %reduce_max3A_121 = arith.constant dense<0xFF800000> : vector<1024xf32>
    %reduce_max3A_122 = vector.multi_reduction <maximumf>, %select_n3A_120, %reduce_max3A_121 [1] : vector<1024x640xf32> to vector<1024xf32>
    %broadcast_in_dim3A_123 = vector.shape_cast %reduce_max3A_122 : vector<1024xf32> to vector<1024x1xf32>
    %eq3A_124 = vector.broadcast %broadcast_in_dim3A_123 : vector<1024x1xf32> to vector<1024x640xf32>
    %eq3A_125 = arith.cmpf oeq, %select_n3A_120, %eq3A_124 : vector<1024x640xf32>
    %jit3A_126 = arith.constant 1073741823 : i32
    %broadcast_in_dim3A_127 = vector.broadcast %jit3A_126 : i32 to vector<1024x640xi32>
    %select_n3A_128 = arith.select %eq3A_125, %concatenate3A_62, %broadcast_in_dim3A_127 : vector<1024x640xi1>, vector<1024x640xi32>
    %reduce_min3A_129 = arith.constant dense<2147483647> : vector<1024xi32>
    %reduce_min3A_130 = vector.multi_reduction <minsi>, %select_n3A_128, %reduce_min3A_129 [1] : vector<1024x640xi32> to vector<1024xi32>
    %broadcast_in_dim3A_131 = vector.shape_cast %reduce_min3A_130 : vector<1024xi32> to vector<1024x1xi32>
    %broadcast_in_dim3A_132 = arith.constant -3.000000e+38 : f32
    %broadcast_in_dim3A_133 = vector.broadcast %broadcast_in_dim3A_132 : f32 to vector<1024x3xf32>
    %concatenate3A_134 = tpu.concatenate %broadcast_in_dim3A, %broadcast_in_dim3A_75, %broadcast_in_dim3A_91, %broadcast_in_dim3A_107, %broadcast_in_dim3A_123, %broadcast_in_dim3A_133 in 1 : vector<1024x1xf32>, vector<1024x1xf32>, vector<1024x1xf32>, vector<1024x1xf32>, vector<1024x1xf32>, vector<1024x3xf32> -> vector<1024x8xf32>
    %swap3A = arith.constant 0 : index
    %swap3A_135 = arith.constant 0 : index
    %swap3A_136 = vector.load %arg2[%swap3A, %swap3A_135] : memref<1024x8xf32, #tpu.memory_space<vmem>>, vector<1024x8xf32>
    tpu.vector_store %arg2[%swap3A, %swap3A_135], %concatenate3A_134 {strides = array<i32>} : memref<1024x8xf32, #tpu.memory_space<vmem>>, vector<1024x8xf32>,
    %broadcast_in_dim3A_137 = arith.constant 1073741823 : i32
    %broadcast_in_dim3A_138 = vector.broadcast %broadcast_in_dim3A_137 : i32 to vector<1024x3xi32>
    %concatenate3A_139 = tpu.concatenate %broadcast_in_dim3A_67, %broadcast_in_dim3A_83, %broadcast_in_dim3A_99, %broadcast_in_dim3A_115, %broadcast_in_dim3A_131, %broadcast_in_dim3A_138 in 1 : vector<1024x1xi32>, vector<1024x1xi32>, vector<1024x1xi32>, vector<1024x1xi32>, vector<1024x1xi32>, vector<1024x3xi32> -> vector<1024x8xi32>
    %swap3A_140 = arith.constant 0 : index
    %swap3A_141 = arith.constant 0 : index
    %swap3A_142 = vector.load %arg3[%swap3A_140, %swap3A_141] : memref<1024x8xi32, #tpu.memory_space<vmem>>, vector<1024x8xi32>
    tpu.vector_store %arg3[%swap3A_140, %swap3A_141], %concatenate3A_139 {strides = array<i32>} : memref<1024x8xi32, #tpu.memory_space<vmem>>, vector<1024x8xi32>,
    return
  }
}

module attributes {stable_mosaic.version = 14 : i64} {
  func.func @_fuse_body(%arg0: memref<1024x8xf32, #tpu.memory_space<vmem>>, %arg1: memref<1024x80xf32, #tpu.memory_space<vmem>>, %arg2: memref<1024x16xf32, #tpu.memory_space<vmem>>, %arg3: memref<16x32xf32, #tpu.memory_space<vmem>>, %arg4: memref<16x32xf32, #tpu.memory_space<vmem>>, %arg5: memref<1x32xf32, #tpu.memory_space<vmem>>, %arg6: memref<32x16xf32, #tpu.memory_space<vmem>>, %arg7: memref<1x16xf32, #tpu.memory_space<vmem>>, %arg8: memref<1x16xf32, #tpu.memory_space<vmem>>, %arg9: memref<1x16xf32, #tpu.memory_space<vmem>>, %arg10: memref<1024x16xf32, #tpu.memory_space<vmem>>) attributes {dimension_semantics = [], scalar_prefetch = 0 : i64, scratch_operands = 0 : i64, tpu.core_type = #tpu.core_type<tc>} {
    %get3A = arith.constant 0 : index
    %get3A_0 = arith.constant 0 : index
    %get3A_1 = vector.load %arg0[%get3A, %get3A_0] : memref<1024x8xf32, #tpu.memory_space<vmem>>, vector<1024x5xf32>
    %reduce_max3A = arith.constant dense<0xFF800000> : vector<1024xf32>
    %reduce_max3A_2 = vector.multi_reduction <maximumf>, %get3A_1, %reduce_max3A [1] : vector<1024x5xf32> to vector<1024xf32>
    %broadcast_in_dim3A = vector.shape_cast %reduce_max3A_2 : vector<1024xf32> to vector<1024x1xf32>
    %sub3A = vector.broadcast %broadcast_in_dim3A : vector<1024x1xf32> to vector<1024x5xf32>
    %sub3A_3 = arith.subf %get3A_1, %sub3A : vector<1024x5xf32>
    %exp3A = math.exp %sub3A_3 : vector<1024x5xf32>
    %reduce_sum3A = arith.constant dense<0.000000e+00> : vector<1024xf32>
    %reduce_sum3A_4 = vector.multi_reduction <add>, %exp3A, %reduce_sum3A [1] : vector<1024x5xf32> to vector<1024xf32>
    %broadcast_in_dim3A_5 = vector.shape_cast %reduce_sum3A_4 : vector<1024xf32> to vector<1024x1xf32>
    %div3A = vector.broadcast %broadcast_in_dim3A_5 : vector<1024x1xf32> to vector<1024x5xf32>
    %div3A_6 = arith.divf %exp3A, %div3A : vector<1024x5xf32>
    %get3A_7 = arith.constant 0 : index
    %get3A_8 = arith.constant 0 : index
    %get3A_9 = vector.load %arg1[%get3A_7, %get3A_8] : memref<1024x80xf32, #tpu.memory_space<vmem>>, vector<1024x80xf32>
    %broadcast_in_dim3A_10 = arith.constant 0.000000e+00 : f32
    %broadcast_in_dim3A_11 = vector.broadcast %broadcast_in_dim3A_10 : f32 to vector<1024x16xf32>
    %slice3A = vector.extract_strided_slice %get3A_9 {offsets = [0, 0], sizes = [1024, 16], strides = [1, 1]} : vector<1024x80xf32> to vector<1024x16xf32>
    %slice3A_12 = vector.extract_strided_slice %div3A_6 {offsets = [0, 0], sizes = [1024, 1], strides = [1, 1]} : vector<1024x5xf32> to vector<1024x1xf32>
    %mul3A = vector.broadcast %slice3A_12 : vector<1024x1xf32> to vector<1024x16xf32>
    %mul3A_13 = arith.mulf %slice3A, %mul3A : vector<1024x16xf32>
    %add3A = arith.addf %broadcast_in_dim3A_11, %mul3A_13 : vector<1024x16xf32>
    %slice3A_14 = vector.extract_strided_slice %get3A_9 {offsets = [0, 16], sizes = [1024, 16], strides = [1, 1]} : vector<1024x80xf32> to vector<1024x16xf32>
    %slice3A_15 = vector.extract_strided_slice %div3A_6 {offsets = [0, 1], sizes = [1024, 1], strides = [1, 1]} : vector<1024x5xf32> to vector<1024x1xf32>
    %mul3A_16 = vector.broadcast %slice3A_15 : vector<1024x1xf32> to vector<1024x16xf32>
    %mul3A_17 = arith.mulf %slice3A_14, %mul3A_16 : vector<1024x16xf32>
    %add3A_18 = arith.addf %add3A, %mul3A_17 : vector<1024x16xf32>
    %slice3A_19 = vector.extract_strided_slice %get3A_9 {offsets = [0, 32], sizes = [1024, 16], strides = [1, 1]} : vector<1024x80xf32> to vector<1024x16xf32>
    %slice3A_20 = vector.extract_strided_slice %div3A_6 {offsets = [0, 2], sizes = [1024, 1], strides = [1, 1]} : vector<1024x5xf32> to vector<1024x1xf32>
    %mul3A_21 = vector.broadcast %slice3A_20 : vector<1024x1xf32> to vector<1024x16xf32>
    %mul3A_22 = arith.mulf %slice3A_19, %mul3A_21 : vector<1024x16xf32>
    %add3A_23 = arith.addf %add3A_18, %mul3A_22 : vector<1024x16xf32>
    %slice3A_24 = vector.extract_strided_slice %get3A_9 {offsets = [0, 48], sizes = [1024, 16], strides = [1, 1]} : vector<1024x80xf32> to vector<1024x16xf32>
    %slice3A_25 = vector.extract_strided_slice %div3A_6 {offsets = [0, 3], sizes = [1024, 1], strides = [1, 1]} : vector<1024x5xf32> to vector<1024x1xf32>
    %mul3A_26 = vector.broadcast %slice3A_25 : vector<1024x1xf32> to vector<1024x16xf32>
    %mul3A_27 = arith.mulf %slice3A_24, %mul3A_26 : vector<1024x16xf32>
    %add3A_28 = arith.addf %add3A_23, %mul3A_27 : vector<1024x16xf32>
    %slice3A_29 = vector.extract_strided_slice %get3A_9 {offsets = [0, 64], sizes = [1024, 16], strides = [1, 1]} : vector<1024x80xf32> to vector<1024x16xf32>
    %slice3A_30 = vector.extract_strided_slice %div3A_6 {offsets = [0, 4], sizes = [1024, 1], strides = [1, 1]} : vector<1024x5xf32> to vector<1024x1xf32>
    %mul3A_31 = vector.broadcast %slice3A_30 : vector<1024x1xf32> to vector<1024x16xf32>
    %mul3A_32 = arith.mulf %slice3A_29, %mul3A_31 : vector<1024x16xf32>
    %add3A_33 = arith.addf %add3A_28, %mul3A_32 : vector<1024x16xf32>
    %get3A_34 = arith.constant 0 : index
    %get3A_35 = arith.constant 0 : index
    %get3A_36 = vector.load %arg2[%get3A_34, %get3A_35] : memref<1024x16xf32, #tpu.memory_space<vmem>>, vector<1024x16xf32>
    %get3A_37 = arith.constant 0 : index
    %get3A_38 = arith.constant 0 : index
    %get3A_39 = vector.load %arg3[%get3A_37, %get3A_38] : memref<16x32xf32, #tpu.memory_space<vmem>>, vector<16x32xf32>
    %dot_general3A = arith.constant dense<0.000000e+00> : vector<1024x32xf32>
    %dot_general3A_40 = tpu.matmul %get3A_36, %get3A_39, %dot_general3A {dimension_numbers = #tpu.dot_dimension_numbers<[1], [0], [0], [1], [0, 0, 1, 1], [], []>, transpose_lhs_hint = false} : vector<1024x16xf32>, vector<16x32xf32>, vector<1024x32xf32> -> vector<1024x32xf32>
    %get3A_41 = arith.constant 0 : index
    %get3A_42 = arith.constant 0 : index
    %get3A_43 = vector.load %arg4[%get3A_41, %get3A_42] : memref<16x32xf32, #tpu.memory_space<vmem>>, vector<16x32xf32>
    %dot_general3A_44 = arith.constant dense<0.000000e+00> : vector<1024x32xf32>
    %dot_general3A_45 = tpu.matmul %add3A_33, %get3A_43, %dot_general3A_44 {dimension_numbers = #tpu.dot_dimension_numbers<[1], [0], [0], [1], [0, 0, 1, 1], [], []>, transpose_lhs_hint = false} : vector<1024x16xf32>, vector<16x32xf32>, vector<1024x32xf32> -> vector<1024x32xf32>
    %add3A_46 = arith.addf %dot_general3A_40, %dot_general3A_45 : vector<1024x32xf32>
    %get3A_47 = arith.constant 0 : index
    %get3A_48 = arith.constant 0 : index
    %get3A_49 = vector.load %arg5[%get3A_47, %get3A_48] : memref<1x32xf32, #tpu.memory_space<vmem>>, vector<1x32xf32>
    %add3A_50 = vector.broadcast %get3A_49 : vector<1x32xf32> to vector<1024x32xf32>
    %add3A_51 = arith.addf %add3A_46, %add3A_50 : vector<1024x32xf32>
    %max3A = arith.constant 0.000000e+00 : f32
    %max3A_52 = vector.broadcast %max3A : f32 to vector<1024x32xf32>
    %max3A_53 = arith.maximumf %add3A_51, %max3A_52 : vector<1024x32xf32>
    %get3A_54 = arith.constant 0 : index
    %get3A_55 = arith.constant 0 : index
    %get3A_56 = vector.load %arg6[%get3A_54, %get3A_55] : memref<32x16xf32, #tpu.memory_space<vmem>>, vector<32x16xf32>
    %dot_general3A_57 = arith.constant dense<0.000000e+00> : vector<1024x16xf32>
    %dot_general3A_58 = tpu.matmul %max3A_53, %get3A_56, %dot_general3A_57 {dimension_numbers = #tpu.dot_dimension_numbers<[1], [0], [0], [1], [0, 0, 1, 1], [], []>, transpose_lhs_hint = false} : vector<1024x32xf32>, vector<32x16xf32>, vector<1024x16xf32> -> vector<1024x16xf32>
    %get3A_59 = arith.constant 0 : index
    %get3A_60 = arith.constant 0 : index
    %get3A_61 = vector.load %arg7[%get3A_59, %get3A_60] : memref<1x16xf32, #tpu.memory_space<vmem>>, vector<1x16xf32>
    %add3A_62 = vector.broadcast %get3A_61 : vector<1x16xf32> to vector<1024x16xf32>
    %add3A_63 = arith.addf %dot_general3A_58, %add3A_62 : vector<1024x16xf32>
    %reduce_sum3A_64 = arith.constant dense<0.000000e+00> : vector<1024xf32>
    %reduce_sum3A_65 = vector.multi_reduction <add>, %add3A_63, %reduce_sum3A_64 [1] : vector<1024x16xf32> to vector<1024xf32>
    %broadcast_in_dim3A_66 = vector.shape_cast %reduce_sum3A_65 : vector<1024xf32> to vector<1024x1xf32>
    %div3A_67 = arith.constant 1.600000e+01 : f32
    %div3A_68 = vector.broadcast %div3A_67 : f32 to vector<1024x1xf32>
    %div3A_69 = arith.divf %broadcast_in_dim3A_66, %div3A_68 : vector<1024x1xf32>
    %sub3A_70 = vector.broadcast %div3A_69 : vector<1024x1xf32> to vector<1024x16xf32>
    %sub3A_71 = arith.subf %add3A_63, %sub3A_70 : vector<1024x16xf32>
    %integer_pow3A = arith.mulf %sub3A_71, %sub3A_71 : vector<1024x16xf32>
    %reduce_sum3A_72 = arith.constant dense<0.000000e+00> : vector<1024xf32>
    %reduce_sum3A_73 = vector.multi_reduction <add>, %integer_pow3A, %reduce_sum3A_72 [1] : vector<1024x16xf32> to vector<1024xf32>
    %broadcast_in_dim3A_74 = vector.shape_cast %reduce_sum3A_73 : vector<1024xf32> to vector<1024x1xf32>
    %div3A_75 = arith.constant 1.600000e+01 : f32
    %div3A_76 = vector.broadcast %div3A_75 : f32 to vector<1024x1xf32>
    %div3A_77 = arith.divf %broadcast_in_dim3A_74, %div3A_76 : vector<1024x1xf32>
    %sub3A_78 = vector.broadcast %div3A_69 : vector<1024x1xf32> to vector<1024x16xf32>
    %sub3A_79 = arith.subf %add3A_63, %sub3A_78 : vector<1024x16xf32>
    %add3A_80 = arith.constant 9.99999974E-6 : f32
    %add3A_81 = vector.broadcast %add3A_80 : f32 to vector<1024x1xf32>
    %add3A_82 = arith.addf %div3A_77, %add3A_81 : vector<1024x1xf32>
    %sqrt3A = math.sqrt %add3A_82 : vector<1024x1xf32>
    %div3A_83 = vector.broadcast %sqrt3A : vector<1024x1xf32> to vector<1024x16xf32>
    %div3A_84 = arith.divf %sub3A_79, %div3A_83 : vector<1024x16xf32>
    %get3A_85 = arith.constant 0 : index
    %get3A_86 = arith.constant 0 : index
    %get3A_87 = vector.load %arg8[%get3A_85, %get3A_86] : memref<1x16xf32, #tpu.memory_space<vmem>>, vector<1x16xf32>
    %mul3A_88 = vector.broadcast %get3A_87 : vector<1x16xf32> to vector<1024x16xf32>
    %mul3A_89 = arith.mulf %div3A_84, %mul3A_88 : vector<1024x16xf32>
    %get3A_90 = arith.constant 0 : index
    %get3A_91 = arith.constant 0 : index
    %get3A_92 = vector.load %arg9[%get3A_90, %get3A_91] : memref<1x16xf32, #tpu.memory_space<vmem>>, vector<1x16xf32>
    %add3A_93 = vector.broadcast %get3A_92 : vector<1x16xf32> to vector<1024x16xf32>
    %add3A_94 = arith.addf %mul3A_89, %add3A_93 : vector<1024x16xf32>
    %swap3A = arith.constant 0 : index
    %swap3A_95 = arith.constant 0 : index
    %swap3A_96 = vector.load %arg10[%swap3A, %swap3A_95] : memref<1024x16xf32, #tpu.memory_space<vmem>>, vector<1024x16xf32>
    tpu.vector_store %arg10[%swap3A, %swap3A_95], %add3A_94 {strides = array<i32>} : memref<1024x16xf32, #tpu.memory_space<vmem>>, vector<1024x16xf32>,
    return
  }
}

</mosaic_0001>

<sc_bundles>
// kernel: kernel.11.cloned.1.call-start
scs
__scs_entry_jumppad:
0x0: {  	(pc) =	sbr.rel $0x88, $3  }
0x1: {  	(tag) =	ssettag $0x0;
	lr =	simm.s32 $0x1  }
0x2: {  	[smem:$0x3F99] =	sst lr;
	_ =	strace $0xD0000000  }
0x3: {  	_ = 	snop  }
0x4: {  	_ = 	snop  }
0x5: {  	_ = 	snop  }
0x6: {  	_ = 	snop  }
0x7: {  	_ = 	snop  }
__scs_overlays_trampoline_lowered:
0x8: {  	[smem:$0x3FA8] =	sst s0  }
0x9: {  	[smem:$0x3FA9] =	sst s1  }
0xa: {  	[smem:$0x3FAA] =	sst s2  }
0xb: {  	[smem:$0x3FAB] =	sst s3  }
0xc: {  	[smem:$0x3FAC] =	sst s4  }
0xd: {  	[smem:$0x3FAD] =	sst s5  }
0xe: {  	[smem:$0x3FAE] =	sst s6  }
0xf: {  	[smem:$0x3FAF] =	sst s7  }
0x10: {  	[smem:$0x3FB0] =	sst s8  }
0x11: {  	[smem:$0x3FB1] =	sst s9;
	s0 =	simm.s32 @!p0 $0x0  }
0x12: {  	s1 =	sld [smem:$0x3F97];
	s0 =	simm.s32 @p0 $0x1  }
0x13: {  	[smem:$0x3FB2] =	sst s0;
	s0 =	simm.s32 @!p1 $0x0  }
0x14: {  	s2 =	sld [smem:$0x3F96];
	s0 =	simm.s32 @p1 $0x1  }
0x15: {  	[smem:$0x3FB3] =	sst s0;
	s0 =	simm.s32 @!p2 $0x0  }
0x16: {  	s3 =	sld [smem:$0x3FDB];
	s0 =	simm.s32 @p2 $0x1  }
0x17: {  	s4 =	simm.s32 $0x1BF5;
	[smem:$0x3FB5] =	sst s0  }
0x18: {  	s0 =	sld [smem:$0x3F98];
	_ =	swait.ge [sflag:s4], $0x0  }
0x19: {  	s7 =	sld [smem:$0x3F99]  }
0x1a: {  	s8 =	sadd.s32 $0xFFFFE003, lr  }
0x1b: {  	s9 =	sadd.s32 $0xFFFFFEF7, lr;
	s5 =	simm.s32 $0xFFFFFFFF;
	p2 =	slt.u32 s8, $0xFFFFF086  }
0x1c: {  	p1 =	slt.u32 s9, $0xF7A;
	s5 =	simm.s32 @!p2 $0x0  }
0x1d: {  	s5 =	simm.s32 @p1 $0x1;
	p0 =	seq.s32 s7, s2  }
0x1e: {  	s7 =	smul.u32 @!p0 $0xF7A, s2;
	p2 =	seq.s32 @!p0 s5, $0x0  }
0x1f: {  	s9 =	smul.u32 $0xF7A, s1;
	s8 =	simm.s32 @!p0 $0x1BF5;
	p2 =	por !p2, p0  }
0x20: {  	[sflag:s8] =	ssyncset.s32 @!p0 $0xFFFFF086;
	s6 =	sadd.s32 @!p0 s3, s7;
	s7 =	simm.s32 @!p0 $0x108  }
0x21: {  	s3 =	sadd.s32 s3, s9;
	s6 =	sadd.s32 @!p0 $0x88, s6;
	s7 =	simm.s32 @p2 $0x1082  }
0x22: {  	[simem:s7], [sflag:s8] =	dma.local @!p0 [hbm:s6], $0xF7A  }
0x23: {  	s9 =	sor.u32 $0xD0000000, s2;
	s6 =	simm.s32 $0x108;
	_ =	swait.ge @!p0 [sflag:s8], $0x0  }
0x24: {  	s3 =	sadd.s32 $0x88, s3;
	s6 =	simm.s32 @!p1 $0x1082;
	[sflag:s4] =	ssyncset.s32 $0xFFFFF086  }
0x25: {  	[simem:s6], [sflag:s4] =	dma.local [hbm:s3], $0xF7A  }
0x26: {  	[smem:$0x3F99] =	sst s1;
	(tag) =	ssettag s2;
	_ =	strace s9  }
0x27: {  	s1 =	sld [smem:$0x3FA9]  }
0x28: {  	s2 =	sld [smem:$0x3FAA]  }
0x29: {  	s4 =	sld [smem:$0x3FAC]  }
0x2a: {  	p0 =	seq.s32 s5, $0x0;
	s5 =	sld [smem:$0x3FAD]  }
0x2b: {  	s6 =	sld [smem:$0x3FAE]  }
0x2c: {  	s7 =	sld [smem:$0x3FAF]  }
0x2d: {  	s3 =	simm.s32 $0x108;
	s8 =	sld [smem:$0x3FB0]  }
0x2e: {  	s3 =	simm.s32 @!p0 $0x1082;
	s9 =	sld [smem:$0x3FB1]  }
0x2f: {  	lr =	sadd.s32 s0, s3;
	s0 =	sld [smem:$0x3FA8]  }
0x30: {  	s3 =	sld [smem:$0x3FAB]  }
0x31: {  	[smem:$0x3FB4] =	sst s10  }
0x32: {  	s10 =	sld [smem:$0x3FB2];
	_ =	sdelay $0x3  }
0x33: {  	p0 =	seq.s32 s10, $0x1;
	s10 =	sld [smem:$0x3FB4];
	_ =	sdelay $0x3  }
0x34: {  	[smem:$0x3FB4] =	sst s10  }
0x35: {  	s10 =	sld [smem:$0x3FB3];
	_ =	sdelay $0x3  }
0x36: {  	p1 =	seq.s32 s10, $0x1;
	s10 =	sld [smem:$0x3FB4];
	_ =	sdelay $0x3  }
0x37: {  	[smem:$0x3FB4] =	sst s10  }
0x38: {  	s10 =	sld [smem:$0x3FB5]  }
0x39: {  	_ = 	snop;
	(pc) =	sbr.ind lr, $3  }
0x3a: {  	_ = 	snop  }
0x3b: {  	_ = 	snop  }
0x3c: {  	p2 =	seq.s32 s10, $0x1;
	s10 =	sld [smem:$0x3FB4]  }
0x3d: {  	_ =	shalt  }
0x3e: {  	_ =	shalt  }
0x3f: {  	_ =	shalt  }
0x40: {  	_ =	shalt  }
0x41: {  	_ =	shalt  }
0x42: {  	_ =	shalt  }
0x43: {  	_ =	shalt  }
0x44: {  	_ =	shalt  }
0x45: {  	_ =	shalt  }
0x46: {  	_ =	shalt  }
0x47: {  	_ =	shalt  }
0x48: {  	_ =	shalt  }
0x49: {  	_ =	shalt  }
0x4a: {  	_ =	shalt  }
0x4b: {  	_ =	shalt  }
0x4c: {  	_ =	shalt  }
0x4d: {  	_ =	shalt  }
0x4e: {  	_ =	shalt  }
0x4f: {  	_ =	shalt  }
0x50: {  	_ =	shalt  }
0x51: {  	_ =	shalt  }
0x52: {  	_ =	shalt  }
0x53: {  	_ =	shalt  }
0x54: {  	_ =	shalt  }
0x55: {  	_ =	shalt  }
0x56: {  	_ =	shalt  }
0x57: {  	_ =	shalt  }
0x58: {  	_ =	shalt  }
0x59: {  	_ =	shalt  }
0x5a: {  	_ =	shalt  }
0x5b: {  	_ =	shalt  }
0x5c: {  	_ =	shalt  }
0x5d: {  	_ =	shalt  }
0x5e: {  	_ =	shalt  }
0x5f: {  	_ =	shalt  }
0x60: {  	_ =	shalt  }
0x61: {  	_ =	shalt  }
0x62: {  	_ =	shalt  }
0x63: {  	_ =	shalt  }
0x64: {  	_ =	shalt  }
0x65: {  	_ =	shalt  }
0x66: {  	_ =	shalt  }
0x67: {  	_ =	shalt  }
0x68: {  	_ =	shalt  }
0x69: {  	_ =	shalt  }
0x6a: {  	_ =	shalt  }
0x6b: {  	_ =	shalt  }
0x6c: {  	_ =	shalt  }
0x6d: {  	_ =	shalt  }
0x6e: {  	_ =	shalt  }
0x6f: {  	_ =	shalt  }
0x70: {  	_ =	shalt  }
0x71: {  	_ =	shalt  }
0x72: {  	_ =	shalt  }
0x73: {  	_ =	shalt  }
0x74: {  	_ =	shalt  }
0x75: {  	_ =	shalt  }
0x76: {  	_ =	shalt  }
0x77: {  	_ =	shalt  }
0x78: {  	_ =	shalt  }
0x79: {  	_ =	shalt  }
0x7a: {  	_ =	shalt  }
0x7b: {  	_ =	shalt  }
0x7c: {  	_ =	shalt  }
0x7d: {  	_ =	shalt  }
0x7e: {  	_ =	shalt  }
0x7f: {  	_ =	shalt  }
0x80: {  	_ =	shalt  }
0x81: {  	_ =	shalt  }
0x82: {  	_ =	shalt  }
0x83: {  	_ =	shalt  }
0x84: {  	_ =	shalt  }
0x85: {  	_ =	shalt  }
0x86: {  	_ =	shalt  }
0x87: {  	_ =	shalt  }
.Lfunc_end0:
.L_simem_size_0:
called_computation.1_lowered:
.L_overlay_start_0:
0x88: {  	s2 =	sld [smem:$0x3FD9]  }
0x89: {  	s3 =	sld [smem:$0x3FFE];
	_ =	sdelay $0x1  }
0x8a: {  	s1 =	srdreg.scid  }
0x8b: {  	s0 =	sand.u32 $0x1, s1  }
0x8c: {  	s17 =	sshll.u32 s0, $0xA;
	s2 =	sadd.s32 s3, s2  }
0x8d: {  	s2 =	sadd.s32 s2, s17  }
0x8e: {  	[smem:$0x3FC0] =	sst s2  }
0x8f: {  	_ = 	snop  }
0x90: {  	s2 =	sld [smem:$0x3FD0];
	(tm) =	ssettm $0x1  }
0x91: {  	s18 =	sld [smem:$0x3FFB];
	_ =	sdelay $0x3  }
0x92: {  	_ =	strace s18  }
0x93: {  	s3 =	sld [smem:$0x3FFC];
	_ =	sdelay $0x3  }
0x94: {  	_ =	strace s3  }
0x95: {  	s3 =	sld [smem:$0x3FFD];
	_ =	sdelay $0x3  }
0x96: {  	_ =	strace s3  }
0x97: {  	_ =	strace $0x8FFFFFFF  }
0x98: {  	s19 =	sld [smem:$0x3FDB];
	_ =	sdelay $0x1  }
0x99: {  	s4 =	simm.s32 $_scs_section_size  }
0x9a: {  	s5 =	simm.s32 $_size__tile_overlayer_lowered;
	s6 =	simm.s32 $_tile_overlayer_lowered  }
0x9b: {  	s22 =	simm.s32 $0x1BFF;
	s21 =	sshll.u32 s6, $0x1;
	s3 =	sadd.s32 s4, s19  }
0x9c: {  	s7 =	simm.s32 $0x0;
	s20 =	sshll.u32 s5, $0x1;
	s5 =	sadd.s32 s21, s3  }
0x9d: {  	[timem:s7], [sflag:s22] =	dma.local [hbm:s5], s20  }
0x9e: {  	_ =	swait.ge [sflag:s22], s20  }
0x9f: {  	s4 =	ssub.s32 $0x0, s20;
	[sflag:s22] =	ssyncset.done $0x0  }
0xa0: {  	[sflag:s22] =	ssyncadd.s32 s4;
	_ =	sdelay $0x1  }
0xa1: {  	s23 =	simm.s32 $0x1B8B  }
0xa2: {  	_ =	swait.ge [sflag:s23], $0x1  }
0xa3: {  	[sflag:s23] =	ssyncset.done $0x0  }
0xa4: {  	s25 =	simm.s32 $0x1B8E;
	s24 =	sld [smem:$0x3FFE];
	[sflag:s23] =	ssyncadd.s32 $0xFFFFFFFF  }
0xa5: {  	s26 =	simm.s32 $execute0_lowered;
	[smem:$0x3FD2] =	sst s25  }
0xa6: {  	s5 =	sshll.u32 s26, $0x1;
	_ =	strace $0x80000049;
	[dreg:$0x1] =	wrdreg $0xFFFFFFFF  }
0xa7: {  	s28 =	simm.s32 $_size_execute0_lowered;
	s3 =	sadd.s32 s3, s5;
	[dreg:$0x0] =	wrdreg $0x0  }
0xa8: {  	s5 =	sshll.u32 s28, $0x1;
	[dreg:$0x2] =	wrdreg s3  }
0xa9: {  	[dreg:$0x3] =	wrdreg s5  }
0xaa: {  	[dreg:$0x4] =	wrdreg $0xC0  }
0xab: {  	_ =	task [dreg:s7], $0x5FFFF  }
0xac: {  	[dreg:$0x1] =	wrdreg $0xFFFFFFFF  }
0xad: {  	[dreg:$0x0] =	wrdreg $0x60  }
0xae: {  	[dreg:$0x2] =	wrdreg s24  }
0xaf: {  	[dreg:$0x3] =	wrdreg s2  }
0xb0: {  	[dreg:$0x4] =	wrdreg $0x9  }
0xb1: {  	_ =	task.clear_ibuf [dreg:s7], $0x5FFFF;
	_ =	strace $0x90000049  }
0xb2: {  	s29 =	simm.s32 $0x9;
	_ =	strace $0x8000004B  }
0xb3: {  	_ =	swait.ge [sflag:s29], $0x1  }
0xb4: {  	[sflag:s29] =	ssyncadd.s32 $0xFFFFFFFF  }
0xb5: {  	_ =	strace $0x9000004B  }
0xb6: {  	_ =	sfence  }
0xb7: {  	s30 =	sld [smem:$0x0];
	_ =	sdelay $0x2  }
0xb8: {  	s31 =	sshll.u32 s1, $0xD;
	s1 =	sshrl.u32 s1, $0x2  }
0xb9: {  	s3 =	sand.u32 $0x4000, s31;
	s1 =	sadd.s32 s1, s30  }
0xba: {  	s0 =	sor.u32 s3, s0;
	s1 =	sshll.u32 s1, $0x11  }
0xbb: {  	s0 =	sor.u32 s1, s0  }
0xbc: {  	s0 =	sadd.s32 $0x8F2B, s0  }
0xbd: {  	[sflag:s0] =	ssyncadd.remote.s32 $0x1  }
0xbe: {  	_ =	sfence.sel $0xFFFF  }
0xbf: {  	[dreg:$0x0] =	wrdreg $0xFFFFFFFF;
	(pc) =	sbr.abs _section_cstart, $3  }
0xc0: {  	[dreg:$0x1] =	wrdreg $0xFFFFFFFF  }
0xc1: {  	_ =	task.clear_ibuf [dreg:s7], $0x2FFFF;
	_ =	strace $0x9FFFFFFF  }
0xc2: {  	(tm) =	ssettm $0x7FFFFFFF  }
0xc3: {  	_ =	shalt  }
tec
execute0_lowered:
.L_overlay_start_1:
0x0: {  	(tag) =	ssettag $0x1  }
0x1: {  	s1 =	srdreg.scid  }
0x2: {  	s0 =	stileid.u32;
	s8 =	rddreg [dreg:$0x0]  }
0x3: {  	s3 =	rddreg [dreg:$0x1];
	s6 =	sand.u32 $0x1, s1;
	s30 =	sshll.u32 s0, $0x1  }
0x4: {  	s2 =	simm.s32 $0x0;
	s1 =	rddreg [dreg:$0x2];
	s7 =	sor.u32 s6, s30  }
0x5: {  	[smem:$0x7FF] =	sst s2;
	s4 =	smul.u32 $0x14, s7  }
0x6: {  	s5 =	sadd.s32 $0x1A4800, s8;
	_ =	strace $0x8000004A;
	s10 =	ssub.s32 $0x2, s6  }
0x7: {  	s6 =	simm.s32 $0xA0;
	s4 =	sadd.s32 s3, s4;
	s3 =	simm.s32 $0x2  }
0x8: {  	[tilespmem:s2], [sflag:$0x2] =	stream.linear.gather [hbm4b:s4+s2], $0xA0, $0x38;
	[tilespmem:$0xAA0] =	vst v63  }
0x9: {  	s9 =	smul.u32 $0x140, s7;
	s11 =	sshrl.u32 s10, $0x1;
	_ =	swait.ge [sflag:s3], $0xA0  }
0xa: {  	s7 =	simm.s32 $0x1;
	s31 =	ssub.s32 s10, s11;
	[sflag:s3] =	ssyncset.done $0x0  }
0xb: {  	s8 =	sadd.s32 s9, s8;
	s9 =	smax.u32 s31, $0x1;
	[sflag:s3] =	ssyncadd.s32 $0xFFFFFF60  }
0xc: {  	[tilespmem:s6], [sflag:$0x1] =	stream.indirect.gather [hbm4b:s5+s6], $0x10, s2, s6, $0xb8;
	[tilespmem:$0xAA0] =	vst v63  }
0xd: {  	p0 =	sne.s32 s9, $0x1;
	_ =	swait.ge [sflag:s7], $0xA00  }
.Ltmp0:
0xe: {  	[sflag:s7] =	ssyncset.done $0x0;
	(pc) =	sbr.rel @!p0 .LBB2_2-.Ltmp0, $4  }
0xf: {  	s8 =	sadd.s32 $0x5E00, s8;
	[sflag:s7] =	ssyncadd.s32 $0xFFFFF600  }
0x10: {  	[hbm4b:s8+s2] =	stream.linear.scatter [tilespmem:s6], [sflag:$0x2], $0xA00, $0x38;
	[tilespmem:$0xAA0] =	vst v63  }
0x11: {  	_ =	swait.ge [sflag:s3], $0xA00  }
0x12: {  	s9 =	sadd.s32 $0xFFFFFFFF, s9;
	[sflag:s3] =	ssyncset.done $0x0  }
.LBB2_1:
0x13: {  	p0 =	sne.s32 s9, $0x1;
	s9 =	sadd.s32 $0xFFFFFFFF, s9;
	[sflag:s3] =	ssyncadd.s32 $0xFFFFF600  }
0x14: {  	[tilespmem:s2], [sflag:$0x2] =	stream.linear.gather [hbm4b:s4+s2], $0xA0, $0x38;
	[tilespmem:$0xAA0] =	vst v63  }
0x15: {  	_ =	swait.ge [sflag:s3], $0xA0  }
0x16: {  	[sflag:s3] =	ssyncset.done $0x0  }
0x17: {  	[sflag:s3] =	ssyncadd.s32 $0xFFFFFF60  }
0x18: {  	[tilespmem:s6], [sflag:$0x1] =	stream.indirect.gather [hbm4b:s5+s6], $0x10, s2, s6, $0xb8;
	[tilespmem:$0xAA0] =	vst v63  }
0x19: {  	_ =	swait.ge [sflag:s7], $0xA00  }
.Ltmp1:
0x1a: {  	[sflag:s7] =	ssyncset.done $0x0;
	(pc) =	sbr.rel @p0 .LBB2_1-.Ltmp1, $4  }
0x1b: {  	[sflag:s7] =	ssyncadd.s32 $0xFFFFF600  }
0x1c: {  	[hbm4b:s8+s2] =	stream.linear.scatter [tilespmem:s6], [sflag:$0x2], $0xA00, $0x38;
	[tilespmem:$0xAA0] =	vst v63  }
0x1d: {  	_ =	swait.ge [sflag:s3], $0xA00  }
0x1e: {  	[sflag:s3] =	ssyncset.done $0x0  }
.LBB2_2:
0x1f: {  	[sflag:s3] =	ssyncadd.s32 $0xFFFFF600  }
0x20: {  	_ =	sfence.sel $0x180000  }
0x21: {  	[bflag:$0x0] =	sbarrier.arrive $0xFFFF  }
0x22: {  	p0 =	sne.s32 s0, $0x0;
	_ =	strace $0x9000004A  }
0x23: {  	s0 =	sadd.s32 @!p0 $0x100000, s1;
	[bflag:$0x2] =	sbarrier.arrive $0xFFFF  }
0x24: {  	[sflag:s0] =	ssyncadd.tile.s32 @!p0 $0x1;
	_ =	shalt  }
.Lfunc_end2:
_tile_overlayer_lowered:
.L_overlay_start_2:
0x25: {  	(tag) =	ssettag $0x2  }
0x26: {  	s0 =	rddreg [dreg:$0x0];
	s2 =	stileid.u32  }
0x27: {  	s1 =	rddreg [dreg:$0x1];
	p0 =	sne.s32 s2, $0x0  }
0x28: {  	s3 =	rddreg [dreg:$0x2];
	[bflag:$0x3] =	sbarrier.arrive $0xFFFF;
	s2 =	simm.s32 @!p0 $0x1C02  }
0x29: {  	[timem:s3], [sflag:s2] =	dma.local @!p0 [hbm:s0], s1  }
0x2a: {  	s0 =	simm.s32 @!p0 $0x2  }
0x2b: {  	_ =	swait.ge @!p0 [sflag:s0], s1  }
0x2c: {  	s1 =	ssub.s32 @!p0 $0x0, s1;
	[sflag:s0] =	ssyncset.done @!p0 $0x0  }
0x2d: {  	[sflag:s0] =	ssyncadd.s32 @!p0 s1  }
0x2e: {  	[bflag:$0x3] =	sbarrier.arrive $0xFFFF  }
0x2f: {  	_ =	shalt  }

// kernel: kernel.8.cloned.1.call-start
scs
__scs_entry_jumppad:
0x0: {  	(pc) =	sbr.rel $0x88, $3  }
0x1: {  	(tag) =	ssettag $0x0;
	lr =	simm.s32 $0x1  }
0x2: {  	[smem:$0x3F99] =	sst lr;
	_ =	strace $0xD0000000  }
0x3: {  	_ = 	snop  }
0x4: {  	_ = 	snop  }
0x5: {  	_ = 	snop  }
0x6: {  	_ = 	snop  }
0x7: {  	_ = 	snop  }
__scs_overlays_trampoline_lowered:
0x8: {  	[smem:$0x3FA8] =	sst s0  }
0x9: {  	[smem:$0x3FA9] =	sst s1  }
0xa: {  	[smem:$0x3FAA] =	sst s2  }
0xb: {  	[smem:$0x3FAB] =	sst s3  }
0xc: {  	[smem:$0x3FAC] =	sst s4  }
0xd: {  	[smem:$0x3FAD] =	sst s5  }
0xe: {  	[smem:$0x3FAE] =	sst s6  }
0xf: {  	[smem:$0x3FAF] =	sst s7  }
0x10: {  	[smem:$0x3FB0] =	sst s8  }
0x11: {  	[smem:$0x3FB1] =	sst s9;
	s0 =	simm.s32 @!p0 $0x0  }
0x12: {  	s1 =	sld [smem:$0x3F97];
	s0 =	simm.s32 @p0 $0x1  }
0x13: {  	[smem:$0x3FB2] =	sst s0;
	s0 =	simm.s32 @!p1 $0x0  }
0x14: {  	s2 =	sld [smem:$0x3F96];
	s0 =	simm.s32 @p1 $0x1  }
0x15: {  	[smem:$0x3FB3] =	sst s0;
	s0 =	simm.s32 @!p2 $0x0  }
0x16: {  	s3 =	sld [smem:$0x3FDB];
	s0 =	simm.s32 @p2 $0x1  }
0x17: {  	s4 =	simm.s32 $0x1BF5;
	[smem:$0x3FB5] =	sst s0  }
0x18: {  	s0 =	sld [smem:$0x3F98];
	_ =	swait.ge [sflag:s4], $0x0  }
0x19: {  	s7 =	sld [smem:$0x3F99]  }
0x1a: {  	s8 =	sadd.s32 $0xFFFFE003, lr  }
0x1b: {  	s9 =	sadd.s32 $0xFFFFFEF7, lr;
	s5 =	simm.s32 $0xFFFFFFFF;
	p2 =	slt.u32 s8, $0xFFFFF086  }
0x1c: {  	p1 =	slt.u32 s9, $0xF7A;
	s5 =	simm.s32 @!p2 $0x0  }
0x1d: {  	s5 =	simm.s32 @p1 $0x1;
	p0 =	seq.s32 s7, s2  }
0x1e: {  	s7 =	smul.u32 @!p0 $0xF7A, s2;
	p2 =	seq.s32 @!p0 s5, $0x0  }
0x1f: {  	s9 =	smul.u32 $0xF7A, s1;
	s8 =	simm.s32 @!p0 $0x1BF5;
	p2 =	por !p2, p0  }
0x20: {  	[sflag:s8] =	ssyncset.s32 @!p0 $0xFFFFF086;
	s6 =	sadd.s32 @!p0 s3, s7;
	s7 =	simm.s32 @!p0 $0x108  }
0x21: {  	s3 =	sadd.s32 s3, s9;
	s6 =	sadd.s32 @!p0 $0x88, s6;
	s7 =	simm.s32 @p2 $0x1082  }
0x22: {  	[simem:s7], [sflag:s8] =	dma.local @!p0 [hbm:s6], $0xF7A  }
0x23: {  	s9 =	sor.u32 $0xD0000000, s2;
	s6 =	simm.s32 $0x108;
	_ =	swait.ge @!p0 [sflag:s8], $0x0  }
0x24: {  	s3 =	sadd.s32 $0x88, s3;
	s6 =	simm.s32 @!p1 $0x1082;
	[sflag:s4] =	ssyncset.s32 $0xFFFFF086  }
0x25: {  	[simem:s6], [sflag:s4] =	dma.local [hbm:s3], $0xF7A  }
0x26: {  	[smem:$0x3F99] =	sst s1;
	(tag) =	ssettag s2;
	_ =	strace s9  }
0x27: {  	s1 =	sld [smem:$0x3FA9]  }
0x28: {  	s2 =	sld [smem:$0x3FAA]  }
0x29: {  	s4 =	sld [smem:$0x3FAC]  }
0x2a: {  	p0 =	seq.s32 s5, $0x0;
	s5 =	sld [smem:$0x3FAD]  }
0x2b: {  	s6 =	sld [smem:$0x3FAE]  }
0x2c: {  	s7 =	sld [smem:$0x3FAF]  }
0x2d: {  	s3 =	simm.s32 $0x108;
	s8 =	sld [smem:$0x3FB0]  }
0x2e: {  	s3 =	simm.s32 @!p0 $0x1082;
	s9 =	sld [smem:$0x3FB1]  }
0x2f: {  	lr =	sadd.s32 s0, s3;
	s0 =	sld [smem:$0x3FA8]  }
0x30: {  	s3 =	sld [smem:$0x3FAB]  }
0x31: {  	[smem:$0x3FB4] =	sst s10  }
0x32: {  	s10 =	sld [smem:$0x3FB2];
	_ =	sdelay $0x3  }
0x33: {  	p0 =	seq.s32 s10, $0x1;
	s10 =	sld [smem:$0x3FB4];
	_ =	sdelay $0x3  }
0x34: {  	[smem:$0x3FB4] =	sst s10  }
0x35: {  	s10 =	sld [smem:$0x3FB3];
	_ =	sdelay $0x3  }
0x36: {  	p1 =	seq.s32 s10, $0x1;
	s10 =	sld [smem:$0x3FB4];
	_ =	sdelay $0x3  }
0x37: {  	[smem:$0x3FB4] =	sst s10  }
0x38: {  	s10 =	sld [smem:$0x3FB5]  }
0x39: {  	_ = 	snop;
	(pc) =	sbr.ind lr, $3  }
0x3a: {  	_ = 	snop  }
0x3b: {  	_ = 	snop  }
0x3c: {  	p2 =	seq.s32 s10, $0x1;
	s10 =	sld [smem:$0x3FB4]  }
0x3d: {  	_ =	shalt  }
0x3e: {  	_ =	shalt  }
0x3f: {  	_ =	shalt  }
0x40: {  	_ =	shalt  }
0x41: {  	_ =	shalt  }
0x42: {  	_ =	shalt  }
0x43: {  	_ =	shalt  }
0x44: {  	_ =	shalt  }
0x45: {  	_ =	shalt  }
0x46: {  	_ =	shalt  }
0x47: {  	_ =	shalt  }
0x48: {  	_ =	shalt  }
0x49: {  	_ =	shalt  }
0x4a: {  	_ =	shalt  }
0x4b: {  	_ =	shalt  }
0x4c: {  	_ =	shalt  }
0x4d: {  	_ =	shalt  }
0x4e: {  	_ =	shalt  }
0x4f: {  	_ =	shalt  }
0x50: {  	_ =	shalt  }
0x51: {  	_ =	shalt  }
0x52: {  	_ =	shalt  }
0x53: {  	_ =	shalt  }
0x54: {  	_ =	shalt  }
0x55: {  	_ =	shalt  }
0x56: {  	_ =	shalt  }
0x57: {  	_ =	shalt  }
0x58: {  	_ =	shalt  }
0x59: {  	_ =	shalt  }
0x5a: {  	_ =	shalt  }
0x5b: {  	_ =	shalt  }
0x5c: {  	_ =	shalt  }
0x5d: {  	_ =	shalt  }
0x5e: {  	_ =	shalt  }
0x5f: {  	_ =	shalt  }
0x60: {  	_ =	shalt  }
0x61: {  	_ =	shalt  }
0x62: {  	_ =	shalt  }
0x63: {  	_ =	shalt  }
0x64: {  	_ =	shalt  }
0x65: {  	_ =	shalt  }
0x66: {  	_ =	shalt  }
0x67: {  	_ =	shalt  }
0x68: {  	_ =	shalt  }
0x69: {  	_ =	shalt  }
0x6a: {  	_ =	shalt  }
0x6b: {  	_ =	shalt  }
0x6c: {  	_ =	shalt  }
0x6d: {  	_ =	shalt  }
0x6e: {  	_ =	shalt  }
0x6f: {  	_ =	shalt  }
0x70: {  	_ =	shalt  }
0x71: {  	_ =	shalt  }
0x72: {  	_ =	shalt  }
0x73: {  	_ =	shalt  }
0x74: {  	_ =	shalt  }
0x75: {  	_ =	shalt  }
0x76: {  	_ =	shalt  }
0x77: {  	_ =	shalt  }
0x78: {  	_ =	shalt  }
0x79: {  	_ =	shalt  }
0x7a: {  	_ =	shalt  }
0x7b: {  	_ =	shalt  }
0x7c: {  	_ =	shalt  }
0x7d: {  	_ =	shalt  }
0x7e: {  	_ =	shalt  }
0x7f: {  	_ =	shalt  }
0x80: {  	_ =	shalt  }
0x81: {  	_ =	shalt  }
0x82: {  	_ =	shalt  }
0x83: {  	_ =	shalt  }
0x84: {  	_ =	shalt  }
0x85: {  	_ =	shalt  }
0x86: {  	_ =	shalt  }
0x87: {  	_ =	shalt  }
.Lfunc_end0:
.L_simem_size_0:
called_computation_lowered:
.L_overlay_start_0:
0x88: {  	s2 =	sld [smem:$0x3FD9]  }
0x89: {  	s3 =	sld [smem:$0x3FFE];
	_ =	sdelay $0x1  }
0x8a: {  	s1 =	srdreg.scid  }
0x8b: {  	s0 =	sand.u32 $0x1, s1  }
0x8c: {  	s17 =	sshll.u32 s0, $0xA;
	s2 =	sadd.s32 s3, s2  }
0x8d: {  	s2 =	sadd.s32 s2, s17  }
0x8e: {  	[smem:$0x3FC0] =	sst s2  }
0x8f: {  	_ = 	snop  }
0x90: {  	s2 =	sld [smem:$0x3FD0];
	(tm) =	ssettm $0x1  }
0x91: {  	s18 =	sld [smem:$0x3FFB];
	_ =	sdelay $0x3  }
0x92: {  	_ =	strace s18  }
0x93: {  	s3 =	sld [smem:$0x3FFC];
	_ =	sdelay $0x3  }
0x94: {  	_ =	strace s3  }
0x95: {  	s3 =	sld [smem:$0x3FFD];
	_ =	sdelay $0x3  }
0x96: {  	_ =	strace s3  }
0x97: {  	_ =	strace $0x8FFFFFFF  }
0x98: {  	s19 =	sld [smem:$0x3FDB];
	_ =	sdelay $0x1  }
0x99: {  	s4 =	simm.s32 $_scs_section_size  }
0x9a: {  	s5 =	simm.s32 $_size__tile_overlayer_lowered;
	s6 =	simm.s32 $_tile_overlayer_lowered  }
0x9b: {  	s22 =	simm.s32 $0x1BFF;
	s21 =	sshll.u32 s6, $0x1;
	s3 =	sadd.s32 s4, s19  }
0x9c: {  	s7 =	simm.s32 $0x0;
	s20 =	sshll.u32 s5, $0x1;
	s5 =	sadd.s32 s21, s3  }
0x9d: {  	[timem:s7], [sflag:s22] =	dma.local [hbm:s5], s20  }
0x9e: {  	_ =	swait.ge [sflag:s22], s20  }
0x9f: {  	s4 =	ssub.s32 $0x0, s20;
	[sflag:s22] =	ssyncset.done $0x0  }
0xa0: {  	[sflag:s22] =	ssyncadd.s32 s4;
	_ =	sdelay $0x1  }
0xa1: {  	s23 =	simm.s32 $0x1B8B  }
0xa2: {  	_ =	swait.ge [sflag:s23], $0x1  }
0xa3: {  	[sflag:s23] =	ssyncset.done $0x0  }
0xa4: {  	s25 =	simm.s32 $0x1B8E;
	s24 =	sld [smem:$0x3FFE];
	[sflag:s23] =	ssyncadd.s32 $0xFFFFFFFF  }
0xa5: {  	s26 =	simm.s32 $execute0_lowered;
	[smem:$0x3FD2] =	sst s25  }
0xa6: {  	s5 =	sshll.u32 s26, $0x1;
	_ =	strace $0x80000046;
	[dreg:$0x1] =	wrdreg $0xFFFFFFFF  }
0xa7: {  	s28 =	simm.s32 $_size_execute0_lowered;
	s3 =	sadd.s32 s3, s5;
	[dreg:$0x0] =	wrdreg $0x0  }
0xa8: {  	s5 =	sshll.u32 s28, $0x1;
	[dreg:$0x2] =	wrdreg s3  }
0xa9: {  	[dreg:$0x3] =	wrdreg s5  }
0xaa: {  	[dreg:$0x4] =	wrdreg $0xC0  }
0xab: {  	_ =	task [dreg:s7], $0x5FFFF  }
0xac: {  	[dreg:$0x1] =	wrdreg $0xFFFFFFFF  }
0xad: {  	[dreg:$0x0] =	wrdreg $0x60  }
0xae: {  	[dreg:$0x2] =	wrdreg s24  }
0xaf: {  	[dreg:$0x3] =	wrdreg s2  }
0xb0: {  	[dreg:$0x4] =	wrdreg $0x9  }
0xb1: {  	_ =	task.clear_ibuf [dreg:s7], $0x5FFFF;
	_ =	strace $0x90000046  }
0xb2: {  	s29 =	simm.s32 $0x9;
	_ =	strace $0x80000048  }
0xb3: {  	_ =	swait.ge [sflag:s29], $0x1  }
0xb4: {  	[sflag:s29] =	ssyncadd.s32 $0xFFFFFFFF  }
0xb5: {  	_ =	strace $0x90000048  }
0xb6: {  	_ =	sfence  }
0xb7: {  	s30 =	sld [smem:$0x0];
	_ =	sdelay $0x2  }
0xb8: {  	s31 =	sshll.u32 s1, $0xD;
	s1 =	sshrl.u32 s1, $0x2  }
0xb9: {  	s3 =	sand.u32 $0x4000, s31;
	s1 =	sadd.s32 s1, s30  }
0xba: {  	s0 =	sor.u32 s3, s0;
	s1 =	sshll.u32 s1, $0x11  }
0xbb: {  	s0 =	sor.u32 s1, s0  }
0xbc: {  	s0 =	sadd.s32 $0x8F2B, s0  }
0xbd: {  	[sflag:s0] =	ssyncadd.remote.s32 $0x1  }
0xbe: {  	_ =	sfence.sel $0xFFFF  }
0xbf: {  	[dreg:$0x0] =	wrdreg $0xFFFFFFFF;
	(pc) =	sbr.abs _section_cstart, $3  }
0xc0: {  	[dreg:$0x1] =	wrdreg $0xFFFFFFFF  }
0xc1: {  	_ =	task.clear_ibuf [dreg:s7], $0x2FFFF;
	_ =	strace $0x9FFFFFFF  }
0xc2: {  	(tm) =	ssettm $0x7FFFFFFF  }
0xc3: {  	_ =	shalt  }
tec
execute0_lowered:
.L_overlay_start_1:
0x0: {  	(tag) =	ssettag $0x1  }
0x1: {  	s1 =	srdreg.scid  }
0x2: {  	s0 =	stileid.u32;
	s8 =	rddreg [dreg:$0x0]  }
0x3: {  	s3 =	rddreg [dreg:$0x1];
	s6 =	sand.u32 $0x1, s1;
	s30 =	sshll.u32 s0, $0x1  }
0x4: {  	s2 =	simm.s32 $0x0;
	s1 =	rddreg [dreg:$0x2];
	s7 =	sor.u32 s6, s30  }
0x5: {  	[smem:$0x7FF] =	sst s2;
	s4 =	smul.u32 $0x14, s7  }
0x6: {  	s5 =	sadd.s32 $0x3D8800, s8;
	_ =	strace $0x80000047;
	s10 =	ssub.s32 $0x2, s6  }
0x7: {  	s6 =	simm.s32 $0xA0;
	s4 =	sadd.s32 s3, s4;
	s3 =	simm.s32 $0x2  }
0x8: {  	[tilespmem:s2], [sflag:$0x2] =	stream.linear.gather [hbm4b:s4+s2], $0xA0, $0x38;
	[tilespmem:$0x50A0] =	vst v63  }
0x9: {  	s9 =	smul.u32 $0xA00, s7;
	s11 =	sshrl.u32 s10, $0x1;
	_ =	swait.ge [sflag:s3], $0xA0  }
0xa: {  	s7 =	simm.s32 $0x1;
	s31 =	ssub.s32 s10, s11;
	[sflag:s3] =	ssyncset.done $0x0  }
0xb: {  	s8 =	sadd.s32 s9, s8;
	s9 =	smax.u32 s31, $0x1;
	[sflag:s3] =	ssyncadd.s32 $0xFFFFFF60  }
0xc: {  	[tilespmem:s6], [sflag:$0x1] =	stream.indirect.gather [hbm4b:s5+s6], $0x80, s2, s6, $0xb8;
	[tilespmem:$0x50A0] =	vst v63  }
0xd: {  	p0 =	sne.s32 s9, $0x1;
	_ =	swait.ge [sflag:s7], $0x5000  }
.Ltmp0:
0xe: {  	[sflag:s7] =	ssyncset.done $0x0;
	(pc) =	sbr.rel @!p0 .LBB2_2-.Ltmp0, $4  }
0xf: {  	s8 =	sadd.s32 $0x190800, s8;
	[sflag:s7] =	ssyncadd.s32 $0xFFFFB000  }
0x10: {  	[hbm4b:s8+s2] =	stream.linear.scatter [tilespmem:s6], [sflag:$0x2], $0x5000, $0x38;
	[tilespmem:$0x50A0] =	vst v63  }
0x11: {  	_ =	swait.ge [sflag:s3], $0x5000  }
0x12: {  	s9 =	sadd.s32 $0xFFFFFFFF, s9;
	[sflag:s3] =	ssyncset.done $0x0  }
.LBB2_1:
0x13: {  	p0 =	sne.s32 s9, $0x1;
	s9 =	sadd.s32 $0xFFFFFFFF, s9;
	[sflag:s3] =	ssyncadd.s32 $0xFFFFB000  }
0x14: {  	[tilespmem:s2], [sflag:$0x2] =	stream.linear.gather [hbm4b:s4+s2], $0xA0, $0x38;
	[tilespmem:$0x50A0] =	vst v63  }
0x15: {  	_ =	swait.ge [sflag:s3], $0xA0  }
0x16: {  	[sflag:s3] =	ssyncset.done $0x0  }
0x17: {  	[sflag:s3] =	ssyncadd.s32 $0xFFFFFF60  }
0x18: {  	[tilespmem:s6], [sflag:$0x1] =	stream.indirect.gather [hbm4b:s5+s6], $0x80, s2, s6, $0xb8;
	[tilespmem:$0x50A0] =	vst v63  }
0x19: {  	_ =	swait.ge [sflag:s7], $0x5000  }
.Ltmp1:
0x1a: {  	[sflag:s7] =	ssyncset.done $0x0;
	(pc) =	sbr.rel @p0 .LBB2_1-.Ltmp1, $4  }
0x1b: {  	[sflag:s7] =	ssyncadd.s32 $0xFFFFB000  }
0x1c: {  	[hbm4b:s8+s2] =	stream.linear.scatter [tilespmem:s6], [sflag:$0x2], $0x5000, $0x38;
	[tilespmem:$0x50A0] =	vst v63  }
0x1d: {  	_ =	swait.ge [sflag:s3], $0x5000  }
0x1e: {  	[sflag:s3] =	ssyncset.done $0x0  }
.LBB2_2:
0x1f: {  	[sflag:s3] =	ssyncadd.s32 $0xFFFFB000  }
0x20: {  	_ =	sfence.sel $0x180000  }
0x21: {  	[bflag:$0x0] =	sbarrier.arrive $0xFFFF  }
0x22: {  	p0 =	sne.s32 s0, $0x0;
	_ =	strace $0x90000047  }
0x23: {  	s0 =	sadd.s32 @!p0 $0x100000, s1;
	[bflag:$0x2] =	sbarrier.arrive $0xFFFF  }
0x24: {  	[sflag:s0] =	ssyncadd.tile.s32 @!p0 $0x1;
	_ =	shalt  }
.Lfunc_end2:
_tile_overlayer_lowered:
.L_overlay_start_2:
0x25: {  	(tag) =	ssettag $0x2  }
0x26: {  	s0 =	rddreg [dreg:$0x0];
	s2 =	stileid.u32  }
0x27: {  	s1 =	rddreg [dreg:$0x1];
	p0 =	sne.s32 s2, $0x0  }
0x28: {  	s3 =	rddreg [dreg:$0x2];
	[bflag:$0x3] =	sbarrier.arrive $0xFFFF;
	s2 =	simm.s32 @!p0 $0x1C02  }
0x29: {  	[timem:s3], [sflag:s2] =	dma.local @!p0 [hbm:s0], s1  }
0x2a: {  	s0 =	simm.s32 @!p0 $0x2  }
0x2b: {  	_ =	swait.ge @!p0 [sflag:s0], s1  }
0x2c: {  	s1 =	ssub.s32 @!p0 $0x0, s1;
	[sflag:s0] =	ssyncset.done @!p0 $0x0  }
0x2d: {  	[sflag:s0] =	ssyncadd.s32 @!p0 s1  }
0x2e: {  	[bflag:$0x3] =	sbarrier.arrive $0xFFFF  }
0x2f: {  	_ =	shalt  }

</sc_bundles>
